<compile_context>
chip_gen: v7x
topology: tpu7x:2x2x1
jax: 0.10.2.dev20260603
libtpu: 0.0.44.dev20260713+nightly
codegen_flags: <defaults>
</compile_context>

<pallas_src>
import jax
import jax.numpy as jnp
from jax import lax
from jax.experimental import pallas as pl
from jax.experimental.pallas import tpu as pltpu
from jax.experimental.pallas import tpu_sc as plsc

_NC = 2
_NS = 16
_NW = _NC * _NS
_DB = 8
_TP = 4
_SC_NT = 192
_BT = 8


def _sc_body(nf, nch, x_ref, emb_ref, o_ref, emb_v, in_buf, out_buf,
             in_sem0, in_sem1, out_sem0, out_sem1):
    c = lax.axis_index("c")
    s = lax.axis_index("s")
    wid = s * _NC + c
    gd = (wid % (_NW // _TP)) * _DB
    tp = wid // (_NW // _TP)
    in_sems = (in_sem0, in_sem1)
    out_sems = (out_sem0, out_sem1)

    pltpu.sync_copy(emb_ref.at[pl.ds(gd, _DB)], emb_v)

    def in_copy(i, b):
        return pltpu.make_async_copy(
            x_ref.at[tp + i * _TP, pl.ds(gd, _DB)],
            in_buf.at[b], in_sems[b])

    def out_copy(i, b):
        return pltpu.make_async_copy(
            out_buf.at[b],
            o_ref.at[tp + i * _TP, pl.ds(gd, _DB)],
            out_sems[b])

    in_copy(0, 0).start()
    in_copy(1, 1).start()

    def step(i, b):
        in_copy(i, b).wait()

        @pl.when(i >= 2)
        def _():
            out_copy(i - 2, b).wait()

        def cbody(cc, carry):
            ds = pl.ds(cc * 16, 16)
            for r in range(_DB):
                out_buf[b, r, ds] = in_buf[b, r, ds] + emb_v[r, ds]
            return carry

        lax.fori_loop(0, nf // 16, cbody, 0)

        out_copy(i, b).start()

        @pl.when(i + 2 < nch)
        def _():
            in_copy(i + 2, b).start()

    def kbody(k, carry):
        step(k * 2, 0)
        step(k * 2 + 1, 1)
        return carry

    lax.fori_loop(0, nch // 2, kbody, 0)

    out_copy(nch - 2, 0).wait()
    out_copy(nch - 1, 1).wait()


def _tc_body(x_ref, emb_ref, alias_ref, o_ref):
    del alias_ref
    o_ref[...] = x_ref[...] + emb_ref[...]


def kernel(x, freqs, emb_weight):
    del freqs
    nt, nf, d = x.shape
    nch = _SC_NT // _TP
    assert d == _DB * (_NW // _TP) and nf % 16 == 0
    assert _SC_NT % (2 * _TP) == 0 and (nt - _SC_NT) % _BT == 0

    xt = jnp.transpose(x, (0, 2, 1))
    embt = jnp.transpose(emb_weight, (1, 0))

    body = lambda *refs: _sc_body(nf, nch, *refs)
    out_sc = pl.kernel(
        body,
        out_type=jax.ShapeDtypeStruct((nt, d, nf), x.dtype),
        mesh=plsc.VectorSubcoreMesh(core_axis_name="c", subcore_axis_name="s"),
        scratch_types=[
            pltpu.VMEM((_DB, nf), jnp.float32),
            pltpu.VMEM((2, _DB, nf), jnp.float32),
            pltpu.VMEM((2, _DB, nf), jnp.float32),
            pltpu.SemaphoreType.DMA,
            pltpu.SemaphoreType.DMA,
            pltpu.SemaphoreType.DMA,
            pltpu.SemaphoreType.DMA,
        ],
    )(xt, embt)

    off = _SC_NT // _BT
    outt = pl.pallas_call(
        _tc_body,
        grid=((nt - _SC_NT) // _BT,),
        in_specs=[
            pl.BlockSpec((_BT, d, nf), lambda i: (i + off, 0, 0)),
            pl.BlockSpec((d, nf), lambda i: (0, 0)),
            pl.BlockSpec(memory_space=pl.ANY),
        ],
        out_specs=pl.BlockSpec((_BT, d, nf), lambda i: (i + off, 0, 0)),
        out_shape=jax.ShapeDtypeStruct((nt, d, nf), x.dtype),
        input_output_aliases={2: 0},
    )(xt, embt, out_sc)
    return jnp.transpose(outt, (0, 2, 1))

# --- scband reference (transcript-rebuilt; emitter-appended) ---
"""Pipeline reference for scband-frequency-learned-embedding-86852828659951 (READ-ONLY COPY).

The authoritative reference and input builder live on the scoring server;
editing this copy changes nothing except your own understanding.
"""

import jax, jax.numpy as jnp
import numpy as np

D_MODEL = 64
NF = 2048
NT = 512

def setup_inputs(seed: int = 0) -> dict:
    key = jax.random.key(seed)
    k1, k2, k3 = jax.random.split(key, 3)
    x = jax.random.normal(k1, (NT, NF, D_MODEL), dtype=jnp.float32)
    freqs = jax.random.randint(k2, (NT, NF), 0, NF, dtype=jnp.int64)
    # learned embedding table, init like nn.Embedding (N(0,1))
    emb_weight = jax.random.normal(k3, (NF, D_MODEL), dtype=jnp.float32)
    return {"x": x, "freqs": freqs, "emb_weight": emb_weight}

def reference(x, freqs, emb_weight):
    Nt, Nf, _ = x.shape
    if freqs.ndim == 1:
        freqs = freqs[None, :]
    assert freqs.shape[1] == Nf
    # freq_indices = arange(Nf) repeated Nt times -> [Nt, Nf]
    freq_indices = jnp.tile(jnp.arange(Nf), (Nt, 1))
    freq_embed = jnp.take(emb_weight, freq_indices, axis=0)  # [Nt, Nf, d_model]
    return x + freq_embed

if __name__ == "__main__":
    import jax
    _d = setup_inputs()
    print(jax.jit(kernel)(*tuple(_d.values())))

</pallas_src>

<mosaic_0001>
#map = affine_map<(d0, d1) -> (0, 0, 0)>
#map1 = affine_map<(d0, d1) -> (0, 0)>
module attributes {stable_mosaic.version = 14 : i64} {
  func.func @_lambda_(%arg0: i32, %arg1: i32, %arg2: memref<512x64x2048xf32, #tpu.memory_space<hbm>>, %arg3: memref<64x2048xf32, #tpu.memory_space<hbm>>, %arg4: memref<512x64x2048xf32, #tpu.memory_space<hbm>>, %arg5: memref<8x2048xf32, #tpu.memory_space<vmem>>, %arg6: memref<2x8x2048xf32, #tpu.memory_space<vmem>>, %arg7: memref<2x8x2048xf32, #tpu.memory_space<vmem>>, %arg8: memref<!tpu.dma_semaphore, #tpu.memory_space<semaphore_mem>>, %arg9: memref<!tpu.dma_semaphore, #tpu.memory_space<semaphore_mem>>, %arg10: memref<!tpu.dma_semaphore, #tpu.memory_space<semaphore_mem>>, %arg11: memref<!tpu.dma_semaphore, #tpu.memory_space<semaphore_mem>>) attributes {dimension_semantics = [#tpu.dimension_semantics<core_parallel>, #tpu.dimension_semantics<subcore_parallel>], iteration_bounds = array<i64: 2, 16>, scalar_prefetch = 0 : i64, scratch_operands = 7 : i64, tpu.core_type = #tpu.core_type<sc_vector_subcore>, window_params = [{transform_indices = #map}, {transform_indices = #map1}, {transform_indices = #map}]} {
    %mul3A = arith.constant 2 : i32
    %mul3A_0 = arith.muli %arg1, %mul3A : i32
    %add3A = arith.addi %mul3A_0, %arg0 : i32
    %jit3A = arith.constant 8 : i32
    %eq3A = arith.constant 0 : i32
    %eq3A_1 = arith.cmpi eq, %jit3A, %eq3A : i32
    %jit3A_2 = arith.constant 1 : i32
    %select_n3A = arith.select %eq3A_1, %jit3A_2, %jit3A : i32
    %rem3A = arith.remsi %add3A, %select_n3A : i32
    %ne3A = arith.constant 0 : i32
    %ne3A_3 = arith.cmpi ne, %rem3A, %ne3A : i32
    %lt3A = arith.constant 0 : i32
    %lt3A_4 = arith.cmpi slt, %rem3A, %lt3A : i32
    %lt3A_5 = arith.constant 0 : i32
    %lt3A_6 = arith.cmpi slt, %select_n3A, %lt3A_5 : i32
    %ne3A_7 = arith.xori %lt3A_4, %lt3A_6 : i1
    %and3A = arith.andi %ne3A_7, %ne3A_3 : i1
    %add3A_8 = arith.addi %rem3A, %select_n3A : i32
    %select_n3A_9 = arith.select %and3A, %add3A_8, %rem3A : i32
    %mul3A_10 = arith.constant 8 : i32
    %mul3A_11 = arith.muli %select_n3A_9, %mul3A_10 : i32
    %jit3A_12 = arith.constant 8 : i32
    %div3A = arith.divsi %add3A, %jit3A_12 : i32
    %sign3A = arith.constant 0 : i32
    %sign3A_13 = arith.cmpi sgt, %add3A, %sign3A : i32
    %sign3A_14 = arith.extui %sign3A_13 : i1 to i32
    %sign3A_15 = arith.constant 0 : i32
    %sign3A_16 = arith.cmpi slt, %add3A, %sign3A_15 : i32
    %sign3A_17 = arith.extui %sign3A_16 : i1 to i32
    %sign3A_18 = arith.subi %sign3A_14, %sign3A_17 : i32
    %sign3A_19 = arith.constant 0 : i32
    %sign3A_20 = arith.cmpi sgt, %jit3A_12, %sign3A_19 : i32
    %sign3A_21 = arith.extui %sign3A_20 : i1 to i32
    %sign3A_22 = arith.constant 0 : i32
    %sign3A_23 = arith.cmpi slt, %jit3A_12, %sign3A_22 : i32
    %sign3A_24 = arith.extui %sign3A_23 : i1 to i32
    %sign3A_25 = arith.subi %sign3A_21, %sign3A_24 : i32
    %ne3A_26 = arith.cmpi ne, %sign3A_18, %sign3A_25 : i32
    %rem3A_27 = arith.remsi %add3A, %jit3A_12 : i32
    %ne3A_28 = arith.constant 0 : i32
    %ne3A_29 = arith.cmpi ne, %rem3A_27, %ne3A_28 : i32
    %and3A_30 = arith.andi %ne3A_26, %ne3A_29 : i1
    %sub3A = arith.constant 1 : i32
    %sub3A_31 = arith.subi %div3A, %sub3A : i32
    %select_n3A_32 = arith.select %and3A_30, %sub3A_31, %div3A : i32
    "tpu.region"() ({
      %run_scoped3A = tpu.sem_alloc : memref<!tpu.dma_semaphore, #tpu.memory_space<semaphore_mem>>
      %dma_start3A_104 = arith.constant 0 : i32
      %dma_start3A_105 = tpu.memref_slice %arg3[%mul3A_11, %dma_start3A_104] : memref<64x2048xf32, #tpu.memory_space<hbm>> -> memref<8x2048xf32, #tpu.memory_space<hbm>>
      %dma_start3A_106 = arith.constant 0 : i32
      %dma_start3A_107 = tpu.memref_slice %arg3[%mul3A_11, %dma_start3A_106] : memref<64x2048xf32, #tpu.memory_space<hbm>> -> memref<8x2048xf32, #tpu.memory_space<hbm>>
      tpu.enqueue_dma source(%dma_start3A_107 : memref<8x2048xf32, #tpu.memory_space<hbm>>) target(%arg5 : memref<8x2048xf32, #tpu.memory_space<vmem>>) target_semaphore(%run_scoped3A : memref<!tpu.dma_semaphore, #tpu.memory_space<semaphore_mem>>)
      %dma_wait3A_108 = arith.constant 0 : i32
      %dma_wait3A_109 = tpu.memref_slice %arg3[%mul3A_11, %dma_wait3A_108] : memref<64x2048xf32, #tpu.memory_space<hbm>> -> memref<8x2048xf32, #tpu.memory_space<hbm>>
      %dma_wait3A_110 = arith.constant 0 : i32
      %dma_wait3A_111 = tpu.memref_slice %arg3[%mul3A_11, %dma_wait3A_110] : memref<64x2048xf32, #tpu.memory_space<hbm>> -> memref<8x2048xf32, #tpu.memory_space<hbm>>
      tpu.wait_dma2 semaphore(%run_scoped3A : memref<!tpu.dma_semaphore, #tpu.memory_space<semaphore_mem>>) src(%dma_wait3A_111 : memref<8x2048xf32, #tpu.memory_space<hbm>>) dst(%arg5 : memref<8x2048xf32, #tpu.memory_space<vmem>>)
      tpu.yield
    }) : () -> ()
    %add3A_33 = arith.constant 0 : i32
    %add3A_34 = arith.addi %select_n3A_32, %add3A_33 : i32
    %dma_start3A = arith.constant 0 : i32
    %dma_start3A_35 = arith.constant 0 : i32
    %dma_start3A_36 = arith.constant 0 : i32
    %dma_start3A_37 = tpu.memref_slice %arg6[%dma_start3A, %dma_start3A_35, %dma_start3A_36] : memref<2x8x2048xf32, #tpu.memory_space<vmem>> -> memref<1x8x2048xf32, #tpu.memory_space<vmem>>
    %dma_start3A_38 = tpu.memref_squeeze %dma_start3A_37 : memref<1x8x2048xf32, #tpu.memory_space<vmem>> -> memref<8x2048xf32, #tpu.memory_space<vmem>>
    %dma_start3A_39 = arith.constant 0 : i32
    %dma_start3A_40 = tpu.memref_slice %arg2[%add3A_34, %mul3A_11, %dma_start3A_39] : memref<512x64x2048xf32, #tpu.memory_space<hbm>> -> memref<1x8x2048xf32, #tpu.memory_space<hbm>>
    %dma_start3A_41 = tpu.memref_squeeze %dma_start3A_40 : memref<1x8x2048xf32, #tpu.memory_space<hbm>> -> memref<8x2048xf32, #tpu.memory_space<hbm>>
    %dma_start3A_42 = arith.constant 0 : i32
    %dma_start3A_43 = arith.constant 0 : i32
    %dma_start3A_44 = tpu.memref_slice %arg6[%dma_start3A, %dma_start3A_42, %dma_start3A_43] : memref<2x8x2048xf32, #tpu.memory_space<vmem>> -> memref<1x8x2048xf32, #tpu.memory_space<vmem>>
    %dma_start3A_45 = tpu.memref_squeeze %dma_start3A_44 : memref<1x8x2048xf32, #tpu.memory_space<vmem>> -> memref<8x2048xf32, #tpu.memory_space<vmem>>
    %dma_start3A_46 = arith.constant 0 : i32
    %dma_start3A_47 = tpu.memref_slice %arg2[%add3A_34, %mul3A_11, %dma_start3A_46] : memref<512x64x2048xf32, #tpu.memory_space<hbm>> -> memref<1x8x2048xf32, #tpu.memory_space<hbm>>
    %dma_start3A_48 = tpu.memref_squeeze %dma_start3A_47 : memref<1x8x2048xf32, #tpu.memory_space<hbm>> -> memref<8x2048xf32, #tpu.memory_space<hbm>>
    tpu.enqueue_dma source(%dma_start3A_48 : memref<8x2048xf32, #tpu.memory_space<hbm>>) target(%dma_start3A_45 : memref<8x2048xf32, #tpu.memory_space<vmem>>) target_semaphore(%arg8 : memref<!tpu.dma_semaphore, #tpu.memory_space<semaphore_mem>>)
    %add3A_49 = arith.constant 4 : i32
    %add3A_50 = arith.addi %select_n3A_32, %add3A_49 : i32
    %dma_start3A_51 = arith.constant 1 : i32
    %dma_start3A_52 = arith.constant 0 : i32
    %dma_start3A_53 = arith.constant 0 : i32
    %dma_start3A_54 = tpu.memref_slice %arg6[%dma_start3A_51, %dma_start3A_52, %dma_start3A_53] : memref<2x8x2048xf32, #tpu.memory_space<vmem>> -> memref<1x8x2048xf32, #tpu.memory_space<vmem>>
    %dma_start3A_55 = tpu.memref_squeeze %dma_start3A_54 : memref<1x8x2048xf32, #tpu.memory_space<vmem>> -> memref<8x2048xf32, #tpu.memory_space<vmem>>
    %dma_start3A_56 = arith.constant 0 : i32
    %dma_start3A_57 = tpu.memref_slice %arg2[%add3A_50, %mul3A_11, %dma_start3A_56] : memref<512x64x2048xf32, #tpu.memory_space<hbm>> -> memref<1x8x2048xf32, #tpu.memory_space<hbm>>
    %dma_start3A_58 = tpu.memref_squeeze %dma_start3A_57 : memref<1x8x2048xf32, #tpu.memory_space<hbm>> -> memref<8x2048xf32, #tpu.memory_space<hbm>>
    %dma_start3A_59 = arith.constant 0 : i32
    %dma_start3A_60 = arith.constant 0 : i32
    %dma_start3A_61 = tpu.memref_slice %arg6[%dma_start3A_51, %dma_start3A_59, %dma_start3A_60] : memref<2x8x2048xf32, #tpu.memory_space<vmem>> -> memref<1x8x2048xf32, #tpu.memory_space<vmem>>
    %dma_start3A_62 = tpu.memref_squeeze %dma_start3A_61 : memref<1x8x2048xf32, #tpu.memory_space<vmem>> -> memref<8x2048xf32, #tpu.memory_space<vmem>>
    %dma_start3A_63 = arith.constant 0 : i32
    %dma_start3A_64 = tpu.memref_slice %arg2[%add3A_50, %mul3A_11, %dma_start3A_63] : memref<512x64x2048xf32, #tpu.memory_space<hbm>> -> memref<1x8x2048xf32, #tpu.memory_space<hbm>>
    %dma_start3A_65 = tpu.memref_squeeze %dma_start3A_64 : memref<1x8x2048xf32, #tpu.memory_space<hbm>> -> memref<8x2048xf32, #tpu.memory_space<hbm>>
    tpu.enqueue_dma source(%dma_start3A_65 : memref<8x2048xf32, #tpu.memory_space<hbm>>) target(%dma_start3A_62 : memref<8x2048xf32, #tpu.memory_space<vmem>>) target_semaphore(%arg9 : memref<!tpu.dma_semaphore, #tpu.memory_space<semaphore_mem>>)
    %scan3A = arith.constant 0 : i32
    %scan3A_66 = arith.constant 0 : i32
    %scan3A_67 = arith.constant 24 : i32
    %scan3A_68 = arith.addi %scan3A_66, %scan3A_67 : i32
    %scan3A_69 = arith.constant 1 : i32
    scf.for %scan3A_104 = %scan3A_66 to %scan3A_68 step %scan3A_69  : i32 {
      %mul3A_105 = arith.constant 2 : i32
      %mul3A_106 = arith.muli %scan3A_104, %mul3A_105 : i32
      %mul3A_107 = arith.constant 4 : i32
      %mul3A_108 = arith.muli %mul3A_106, %mul3A_107 : i32
      %add3A_109 = arith.addi %select_n3A_32, %mul3A_108 : i32
      %dma_wait3A_110 = arith.constant 0 : i32
      %dma_wait3A_111 = arith.constant 0 : i32
      %dma_wait3A_112 = arith.constant 0 : i32
      %dma_wait3A_113 = tpu.memref_slice %arg6[%dma_wait3A_110, %dma_wait3A_111, %dma_wait3A_112] : memref<2x8x2048xf32, #tpu.memory_space<vmem>> -> memref<1x8x2048xf32, #tpu.memory_space<vmem>>
      %dma_wait3A_114 = tpu.memref_squeeze %dma_wait3A_113 : memref<1x8x2048xf32, #tpu.memory_space<vmem>> -> memref<8x2048xf32, #tpu.memory_space<vmem>>
      %dma_wait3A_115 = arith.constant 0 : i32
      %dma_wait3A_116 = tpu.memref_slice %arg2[%add3A_109, %mul3A_11, %dma_wait3A_115] : memref<512x64x2048xf32, #tpu.memory_space<hbm>> -> memref<1x8x2048xf32, #tpu.memory_space<hbm>>
      %dma_wait3A_117 = tpu.memref_squeeze %dma_wait3A_116 : memref<1x8x2048xf32, #tpu.memory_space<hbm>> -> memref<8x2048xf32, #tpu.memory_space<hbm>>
      %dma_wait3A_118 = arith.constant 0 : i32
      %dma_wait3A_119 = arith.constant 0 : i32
      %dma_wait3A_120 = tpu.memref_slice %arg6[%dma_wait3A_110, %dma_wait3A_118, %dma_wait3A_119] : memref<2x8x2048xf32, #tpu.memory_space<vmem>> -> memref<1x8x2048xf32, #tpu.memory_space<vmem>>
      %dma_wait3A_121 = tpu.memref_squeeze %dma_wait3A_120 : memref<1x8x2048xf32, #tpu.memory_space<vmem>> -> memref<8x2048xf32, #tpu.memory_space<vmem>>
      %dma_wait3A_122 = arith.constant 0 : i32
      %dma_wait3A_123 = tpu.memref_slice %arg2[%add3A_109, %mul3A_11, %dma_wait3A_122] : memref<512x64x2048xf32, #tpu.memory_space<hbm>> -> memref<1x8x2048xf32, #tpu.memory_space<hbm>>
      %dma_wait3A_124 = tpu.memref_squeeze %dma_wait3A_123 : memref<1x8x2048xf32, #tpu.memory_space<hbm>> -> memref<8x2048xf32, #tpu.memory_space<hbm>>
      tpu.wait_dma2 semaphore(%arg8 : memref<!tpu.dma_semaphore, #tpu.memory_space<semaphore_mem>>) src(%dma_wait3A_124 : memref<8x2048xf32, #tpu.memory_space<hbm>>) dst(%dma_wait3A_121 : memref<8x2048xf32, #tpu.memory_space<vmem>>)
      %ge3A = arith.constant 2 : i32
      %ge3A_125 = arith.cmpi sge, %mul3A_106, %ge3A : i32
      %convert_element_type3A = arith.extui %ge3A_125 : i1 to i32
      %cond3A = arith.constant 0 : i32
      %cond3A_126 = arith.cmpi ne, %convert_element_type3A, %cond3A : i32
      scf.if %cond3A_126 {
        %sub3A_216 = arith.constant 2 : i32
        %sub3A_217 = arith.subi %mul3A_106, %sub3A_216 : i32
        %mul3A_218 = arith.constant 4 : i32
        %mul3A_219 = arith.muli %sub3A_217, %mul3A_218 : i32
        %add3A_220 = arith.addi %select_n3A_32, %mul3A_219 : i32
        %dma_wait3A_221 = arith.constant 0 : i32
        %dma_wait3A_222 = arith.constant 0 : i32
        %dma_wait3A_223 = arith.constant 0 : i32
        %dma_wait3A_224 = tpu.memref_slice %arg7[%dma_wait3A_221, %dma_wait3A_222, %dma_wait3A_223] : memref<2x8x2048xf32, #tpu.memory_space<vmem>> -> memref<1x8x2048xf32, #tpu.memory_space<vmem>>
        %dma_wait3A_225 = tpu.memref_squeeze %dma_wait3A_224 : memref<1x8x2048xf32, #tpu.memory_space<vmem>> -> memref<8x2048xf32, #tpu.memory_space<vmem>>
        %dma_wait3A_226 = arith.constant 0 : i32
        %dma_wait3A_227 = tpu.memref_slice %arg4[%add3A_220, %mul3A_11, %dma_wait3A_226] : memref<512x64x2048xf32, #tpu.memory_space<hbm>> -> memref<1x8x2048xf32, #tpu.memory_space<hbm>>
        %dma_wait3A_228 = tpu.memref_squeeze %dma_wait3A_227 : memref<1x8x2048xf32, #tpu.memory_space<hbm>> -> memref<8x2048xf32, #tpu.memory_space<hbm>>
        %dma_wait3A_229 = arith.constant 0 : i32
        %dma_wait3A_230 = tpu.memref_slice %arg4[%add3A_220, %mul3A_11, %dma_wait3A_229] : memref<512x64x2048xf32, #tpu.memory_space<hbm>> -> memref<1x8x2048xf32, #tpu.memory_space<hbm>>
        %dma_wait3A_231 = tpu.memref_squeeze %dma_wait3A_230 : memref<1x8x2048xf32, #tpu.memory_space<hbm>> -> memref<8x2048xf32, #tpu.memory_space<hbm>>
        %dma_wait3A_232 = arith.constant 0 : i32
        %dma_wait3A_233 = arith.constant 0 : i32
        %dma_wait3A_234 = tpu.memref_slice %arg7[%dma_wait3A_221, %dma_wait3A_232, %dma_wait3A_233] : memref<2x8x2048xf32, #tpu.memory_space<vmem>> -> memref<1x8x2048xf32, #tpu.memory_space<vmem>>
        %dma_wait3A_235 = tpu.memref_squeeze %dma_wait3A_234 : memref<1x8x2048xf32, #tpu.memory_space<vmem>> -> memref<8x2048xf32, #tpu.memory_space<vmem>>
        tpu.wait_dma2 semaphore(%arg10 : memref<!tpu.dma_semaphore, #tpu.memory_space<semaphore_mem>>) src(%dma_wait3A_235 : memref<8x2048xf32, #tpu.memory_space<vmem>>) dst(%dma_wait3A_231 : memref<8x2048xf32, #tpu.memory_space<hbm>>)
      } else {
      }
      %scan3A_127 = arith.constant 0 : i32
      %scan3A_128 = arith.constant 0 : i32
      %scan3A_129 = arith.constant 128 : i32
      %scan3A_130 = arith.addi %scan3A_128, %scan3A_129 : i32
      %scan3A_131 = arith.constant 1 : i32
      scf.for %scan3A_216 = %scan3A_128 to %scan3A_130 step %scan3A_131  : i32 {
        %mul3A_217 = arith.constant 16 : i32
        %mul3A_218 = arith.muli %scan3A_216, %mul3A_217 : i32
        %get3A = arith.constant 0 : i32
        %get3A_219 = arith.constant 0 : i32
        %get3A_220 = arith.index_cast %get3A : i32 to index
        %get3A_221 = arith.index_cast %get3A_219 : i32 to index
        %get3A_222 = arith.index_cast %mul3A_218 : i32 to index
        %get3A_223 = tpu.vector_load %arg6[%get3A_220, %get3A_221, %get3A_222] {strides = array<i32>} : memref<2x8x2048xf32, #tpu.memory_space<vmem>>, vector<1x1x16xf32>,
        %get3A_224 = vector.shape_cast %get3A_223 : vector<1x1x16xf32> to vector<16xf32>
        %get3A_225 = arith.constant 0 : i32
        %get3A_226 = arith.index_cast %get3A_225 : i32 to index
        %get3A_227 = arith.index_cast %mul3A_218 : i32 to index
        %get3A_228 = tpu.vector_load %arg5[%get3A_226, %get3A_227] {strides = array<i32>} : memref<8x2048xf32, #tpu.memory_space<vmem>>, vector<1x16xf32>,
        %get3A_229 = vector.shape_cast %get3A_228 : vector<1x16xf32> to vector<16xf32>
        %add3A_230 = arith.addf %get3A_224, %get3A_229 : vector<16xf32>
        %swap3A = arith.constant 0 : i32
        %swap3A_231 = arith.constant 0 : i32
        %swap3A_232 = arith.index_cast %swap3A : i32 to index
        %swap3A_233 = arith.index_cast %swap3A_231 : i32 to index
        %swap3A_234 = arith.index_cast %mul3A_218 : i32 to index
        %swap3A_235 = tpu.vector_load %arg7[%swap3A_232, %swap3A_233, %swap3A_234] {strides = array<i32>} : memref<2x8x2048xf32, #tpu.memory_space<vmem>>, vector<1x1x16xf32>,
        %swap3A_236 = vector.shape_cast %swap3A_235 : vector<1x1x16xf32> to vector<16xf32>
        %swap3A_237 = vector.shape_cast %add3A_230 : vector<16xf32> to vector<1x1x16xf32>
        tpu.vector_store %arg7[%swap3A_232, %swap3A_233, %swap3A_234], %swap3A_237 {strides = array<i32>} : memref<2x8x2048xf32, #tpu.memory_space<vmem>>, vector<1x1x16xf32>,
        %get3A_238 = arith.constant 0 : i32
        %get3A_239 = arith.constant 1 : i32
        %get3A_240 = arith.index_cast %get3A_238 : i32 to index
        %get3A_241 = arith.index_cast %get3A_239 : i32 to index
        %get3A_242 = arith.index_cast %mul3A_218 : i32 to index
        %get3A_243 = tpu.vector_load %arg6[%get3A_240, %get3A_241, %get3A_242] {strides = array<i32>} : memref<2x8x2048xf32, #tpu.memory_space<vmem>>, vector<1x1x16xf32>,
        %get3A_244 = vector.shape_cast %get3A_243 : vector<1x1x16xf32> to vector<16xf32>
        %get3A_245 = arith.constant 1 : i32
        %get3A_246 = arith.index_cast %get3A_245 : i32 to index
        %get3A_247 = arith.index_cast %mul3A_218 : i32 to index
        %get3A_248 = tpu.vector_load %arg5[%get3A_246, %get3A_247] {strides = array<i32>} : memref<8x2048xf32, #tpu.memory_space<vmem>>, vector<1x16xf32>,
        %get3A_249 = vector.shape_cast %get3A_248 : vector<1x16xf32> to vector<16xf32>
        %add3A_250 = arith.addf %get3A_244, %get3A_249 : vector<16xf32>
        %swap3A_251 = arith.constant 0 : i32
        %swap3A_252 = arith.constant 1 : i32
        %swap3A_253 = arith.index_cast %swap3A_251 : i32 to index
        %swap3A_254 = arith.index_cast %swap3A_252 : i32 to index
        %swap3A_255 = arith.index_cast %mul3A_218 : i32 to index
        %swap3A_256 = tpu.vector_load %arg7[%swap3A_253, %swap3A_254, %swap3A_255] {strides = array<i32>} : memref<2x8x2048xf32, #tpu.memory_space<vmem>>, vector<1x1x16xf32>,
        %swap3A_257 = vector.shape_cast %swap3A_256 : vector<1x1x16xf32> to vector<16xf32>
        %swap3A_258 = vector.shape_cast %add3A_250 : vector<16xf32> to vector<1x1x16xf32>
        tpu.vector_store %arg7[%swap3A_253, %swap3A_254, %swap3A_255], %swap3A_258 {strides = array<i32>} : memref<2x8x2048xf32, #tpu.memory_space<vmem>>, vector<1x1x16xf32>,
        %get3A_259 = arith.constant 0 : i32
        %get3A_260 = arith.constant 2 : i32
        %get3A_261 = arith.index_cast %get3A_259 : i32 to index
        %get3A_262 = arith.index_cast %get3A_260 : i32 to index
        %get3A_263 = arith.index_cast %mul3A_218 : i32 to index
        %get3A_264 = tpu.vector_load %arg6[%get3A_261, %get3A_262, %get3A_263] {strides = array<i32>} : memref<2x8x2048xf32, #tpu.memory_space<vmem>>, vector<1x1x16xf32>,
        %get3A_265 = vector.shape_cast %get3A_264 : vector<1x1x16xf32> to vector<16xf32>
        %get3A_266 = arith.constant 2 : i32
        %get3A_267 = arith.index_cast %get3A_266 : i32 to index
        %get3A_268 = arith.index_cast %mul3A_218 : i32 to index
        %get3A_269 = tpu.vector_load %arg5[%get3A_267, %get3A_268] {strides = array<i32>} : memref<8x2048xf32, #tpu.memory_space<vmem>>, vector<1x16xf32>,
        %get3A_270 = vector.shape_cast %get3A_269 : vector<1x16xf32> to vector<16xf32>
        %add3A_271 = arith.addf %get3A_265, %get3A_270 : vector<16xf32>
        %swap3A_272 = arith.constant 0 : i32
        %swap3A_273 = arith.constant 2 : i32
        %swap3A_274 = arith.index_cast %swap3A_272 : i32 to index
        %swap3A_275 = arith.index_cast %swap3A_273 : i32 to index
        %swap3A_276 = arith.index_cast %mul3A_218 : i32 to index
        %swap3A_277 = tpu.vector_load %arg7[%swap3A_274, %swap3A_275, %swap3A_276] {strides = array<i32>} : memref<2x8x2048xf32, #tpu.memory_space<vmem>>, vector<1x1x16xf32>,
        %swap3A_278 = vector.shape_cast %swap3A_277 : vector<1x1x16xf32> to vector<16xf32>
        %swap3A_279 = vector.shape_cast %add3A_271 : vector<16xf32> to vector<1x1x16xf32>
        tpu.vector_store %arg7[%swap3A_274, %swap3A_275, %swap3A_276], %swap3A_279 {strides = array<i32>} : memref<2x8x2048xf32, #tpu.memory_space<vmem>>, vector<1x1x16xf32>,
        %get3A_280 = arith.constant 0 : i32
        %get3A_281 = arith.constant 3 : i32
        %get3A_282 = arith.index_cast %get3A_280 : i32 to index
        %get3A_283 = arith.index_cast %get3A_281 : i32 to index
        %get3A_284 = arith.index_cast %mul3A_218 : i32 to index
        %get3A_285 = tpu.vector_load %arg6[%get3A_282, %get3A_283, %get3A_284] {strides = array<i32>} : memref<2x8x2048xf32, #tpu.memory_space<vmem>>, vector<1x1x16xf32>,
        %get3A_286 = vector.shape_cast %get3A_285 : vector<1x1x16xf32> to vector<16xf32>
        %get3A_287 = arith.constant 3 : i32
        %get3A_288 = arith.index_cast %get3A_287 : i32 to index
        %get3A_289 = arith.index_cast %mul3A_218 : i32 to index
        %get3A_290 = tpu.vector_load %arg5[%get3A_288, %get3A_289] {strides = array<i32>} : memref<8x2048xf32, #tpu.memory_space<vmem>>, vector<1x16xf32>,
        %get3A_291 = vector.shape_cast %get3A_290 : vector<1x16xf32> to vector<16xf32>
        %add3A_292 = arith.addf %get3A_286, %get3A_291 : vector<16xf32>
        %swap3A_293 = arith.constant 0 : i32
        %swap3A_294 = arith.constant 3 : i32
        %swap3A_295 = arith.index_cast %swap3A_293 : i32 to index
        %swap3A_296 = arith.index_cast %swap3A_294 : i32 to index
        %swap3A_297 = arith.index_cast %mul3A_218 : i32 to index
        %swap3A_298 = tpu.vector_load %arg7[%swap3A_295, %swap3A_296, %swap3A_297] {strides = array<i32>} : memref<2x8x2048xf32, #tpu.memory_space<vmem>>, vector<1x1x16xf32>,
        %swap3A_299 = vector.shape_cast %swap3A_298 : vector<1x1x16xf32> to vector<16xf32>
        %swap3A_300 = vector.shape_cast %add3A_292 : vector<16xf32> to vector<1x1x16xf32>
        tpu.vector_store %arg7[%swap3A_295, %swap3A_296, %swap3A_297], %swap3A_300 {strides = array<i32>} : memref<2x8x2048xf32, #tpu.memory_space<vmem>>, vector<1x1x16xf32>,
        %get3A_301 = arith.constant 0 : i32
        %get3A_302 = arith.constant 4 : i32
        %get3A_303 = arith.index_cast %get3A_301 : i32 to index
        %get3A_304 = arith.index_cast %get3A_302 : i32 to index
        %get3A_305 = arith.index_cast %mul3A_218 : i32 to index
        %get3A_306 = tpu.vector_load %arg6[%get3A_303, %get3A_304, %get3A_305] {strides = array<i32>} : memref<2x8x2048xf32, #tpu.memory_space<vmem>>, vector<1x1x16xf32>,
        %get3A_307 = vector.shape_cast %get3A_306 : vector<1x1x16xf32> to vector<16xf32>
        %get3A_308 = arith.constant 4 : i32
        %get3A_309 = arith.index_cast %get3A_308 : i32 to index
        %get3A_310 = arith.index_cast %mul3A_218 : i32 to index
        %get3A_311 = tpu.vector_load %arg5[%get3A_309, %get3A_310] {strides = array<i32>} : memref<8x2048xf32, #tpu.memory_space<vmem>>, vector<1x16xf32>,
        %get3A_312 = vector.shape_cast %get3A_311 : vector<1x16xf32> to vector<16xf32>
        %add3A_313 = arith.addf %get3A_307, %get3A_312 : vector<16xf32>
        %swap3A_314 = arith.constant 0 : i32
        %swap3A_315 = arith.constant 4 : i32
        %swap3A_316 = arith.index_cast %swap3A_314 : i32 to index
        %swap3A_317 = arith.index_cast %swap3A_315 : i32 to index
        %swap3A_318 = arith.index_cast %mul3A_218 : i32 to index
        %swap3A_319 = tpu.vector_load %arg7[%swap3A_316, %swap3A_317, %swap3A_318] {strides = array<i32>} : memref<2x8x2048xf32, #tpu.memory_space<vmem>>, vector<1x1x16xf32>,
        %swap3A_320 = vector.shape_cast %swap3A_319 : vector<1x1x16xf32> to vector<16xf32>
        %swap3A_321 = vector.shape_cast %add3A_313 : vector<16xf32> to vector<1x1x16xf32>
        tpu.vector_store %arg7[%swap3A_316, %swap3A_317, %swap3A_318], %swap3A_321 {strides = array<i32>} : memref<2x8x2048xf32, #tpu.memory_space<vmem>>, vector<1x1x16xf32>,
        %get3A_322 = arith.constant 0 : i32
        %get3A_323 = arith.constant 5 : i32
        %get3A_324 = arith.index_cast %get3A_322 : i32 to index
        %get3A_325 = arith.index_cast %get3A_323 : i32 to index
        %get3A_326 = arith.index_cast %mul3A_218 : i32 to index
        %get3A_327 = tpu.vector_load %arg6[%get3A_324, %get3A_325, %get3A_326] {strides = array<i32>} : memref<2x8x2048xf32, #tpu.memory_space<vmem>>, vector<1x1x16xf32>,
        %get3A_328 = vector.shape_cast %get3A_327 : vector<1x1x16xf32> to vector<16xf32>
        %get3A_329 = arith.constant 5 : i32
        %get3A_330 = arith.index_cast %get3A_329 : i32 to index
        %get3A_331 = arith.index_cast %mul3A_218 : i32 to index
        %get3A_332 = tpu.vector_load %arg5[%get3A_330, %get3A_331] {strides = array<i32>} : memref<8x2048xf32, #tpu.memory_space<vmem>>, vector<1x16xf32>,
        %get3A_333 = vector.shape_cast %get3A_332 : vector<1x16xf32> to vector<16xf32>
        %add3A_334 = arith.addf %get3A_328, %get3A_333 : vector<16xf32>
        %swap3A_335 = arith.constant 0 : i32
        %swap3A_336 = arith.constant 5 : i32
        %swap3A_337 = arith.index_cast %swap3A_335 : i32 to index
        %swap3A_338 = arith.index_cast %swap3A_336 : i32 to index
        %swap3A_339 = arith.index_cast %mul3A_218 : i32 to index
        %swap3A_340 = tpu.vector_load %arg7[%swap3A_337, %swap3A_338, %swap3A_339] {strides = array<i32>} : memref<2x8x2048xf32, #tpu.memory_space<vmem>>, vector<1x1x16xf32>,
        %swap3A_341 = vector.shape_cast %swap3A_340 : vector<1x1x16xf32> to vector<16xf32>
        %swap3A_342 = vector.shape_cast %add3A_334 : vector<16xf32> to vector<1x1x16xf32>
        tpu.vector_store %arg7[%swap3A_337, %swap3A_338, %swap3A_339], %swap3A_342 {strides = array<i32>} : memref<2x8x2048xf32, #tpu.memory_space<vmem>>, vector<1x1x16xf32>,
        %get3A_343 = arith.constant 0 : i32
        %get3A_344 = arith.constant 6 : i32
        %get3A_345 = arith.index_cast %get3A_343 : i32 to index
        %get3A_346 = arith.index_cast %get3A_344 : i32 to index
        %get3A_347 = arith.index_cast %mul3A_218 : i32 to index
        %get3A_348 = tpu.vector_load %arg6[%get3A_345, %get3A_346, %get3A_347] {strides = array<i32>} : memref<2x8x2048xf32, #tpu.memory_space<vmem>>, vector<1x1x16xf32>,
        %get3A_349 = vector.shape_cast %get3A_348 : vector<1x1x16xf32> to vector<16xf32>
        %get3A_350 = arith.constant 6 : i32
        %get3A_351 = arith.index_cast %get3A_350 : i32 to index
        %get3A_352 = arith.index_cast %mul3A_218 : i32 to index
        %get3A_353 = tpu.vector_load %arg5[%get3A_351, %get3A_352] {strides = array<i32>} : memref<8x2048xf32, #tpu.memory_space<vmem>>, vector<1x16xf32>,
        %get3A_354 = vector.shape_cast %get3A_353 : vector<1x16xf32> to vector<16xf32>
        %add3A_355 = arith.addf %get3A_349, %get3A_354 : vector<16xf32>
        %swap3A_356 = arith.constant 0 : i32
        %swap3A_357 = arith.constant 6 : i32
        %swap3A_358 = arith.index_cast %swap3A_356 : i32 to index
        %swap3A_359 = arith.index_cast %swap3A_357 : i32 to index
        %swap3A_360 = arith.index_cast %mul3A_218 : i32 to index
        %swap3A_361 = tpu.vector_load %arg7[%swap3A_358, %swap3A_359, %swap3A_360] {strides = array<i32>} : memref<2x8x2048xf32, #tpu.memory_space<vmem>>, vector<1x1x16xf32>,
        %swap3A_362 = vector.shape_cast %swap3A_361 : vector<1x1x16xf32> to vector<16xf32>
        %swap3A_363 = vector.shape_cast %add3A_355 : vector<16xf32> to vector<1x1x16xf32>
        tpu.vector_store %arg7[%swap3A_358, %swap3A_359, %swap3A_360], %swap3A_363 {strides = array<i32>} : memref<2x8x2048xf32, #tpu.memory_space<vmem>>, vector<1x1x16xf32>,
        %get3A_364 = arith.constant 0 : i32
        %get3A_365 = arith.constant 7 : i32
        %get3A_366 = arith.index_cast %get3A_364 : i32 to index
        %get3A_367 = arith.index_cast %get3A_365 : i32 to index
        %get3A_368 = arith.index_cast %mul3A_218 : i32 to index
        %get3A_369 = tpu.vector_load %arg6[%get3A_366, %get3A_367, %get3A_368] {strides = array<i32>} : memref<2x8x2048xf32, #tpu.memory_space<vmem>>, vector<1x1x16xf32>,
        %get3A_370 = vector.shape_cast %get3A_369 : vector<1x1x16xf32> to vector<16xf32>
        %get3A_371 = arith.constant 7 : i32
        %get3A_372 = arith.index_cast %get3A_371 : i32 to index
        %get3A_373 = arith.index_cast %mul3A_218 : i32 to index
        %get3A_374 = tpu.vector_load %arg5[%get3A_372, %get3A_373] {strides = array<i32>} : memref<8x2048xf32, #tpu.memory_space<vmem>>, vector<1x16xf32>,
        %get3A_375 = vector.shape_cast %get3A_374 : vector<1x16xf32> to vector<16xf32>
        %add3A_376 = arith.addf %get3A_370, %get3A_375 : vector<16xf32>
        %swap3A_377 = arith.constant 0 : i32
        %swap3A_378 = arith.constant 7 : i32
        %swap3A_379 = arith.index_cast %swap3A_377 : i32 to index
        %swap3A_380 = arith.index_cast %swap3A_378 : i32 to index
        %swap3A_381 = arith.index_cast %mul3A_218 : i32 to index
        %swap3A_382 = tpu.vector_load %arg7[%swap3A_379, %swap3A_380, %swap3A_381] {strides = array<i32>} : memref<2x8x2048xf32, #tpu.memory_space<vmem>>, vector<1x1x16xf32>,
        %swap3A_383 = vector.shape_cast %swap3A_382 : vector<1x1x16xf32> to vector<16xf32>
        %swap3A_384 = vector.shape_cast %add3A_376 : vector<16xf32> to vector<1x1x16xf32>
        tpu.vector_store %arg7[%swap3A_379, %swap3A_380, %swap3A_381], %swap3A_384 {strides = array<i32>} : memref<2x8x2048xf32, #tpu.memory_space<vmem>>, vector<1x1x16xf32>,
      }
      %scan3A_132 = arith.constant 128 : i32
      %mul3A_133 = arith.constant 4 : i32
      %mul3A_134 = arith.muli %mul3A_106, %mul3A_133 : i32
      %add3A_135 = arith.addi %select_n3A_32, %mul3A_134 : i32
      %dma_start3A_136 = arith.constant 0 : i32
      %dma_start3A_137 = arith.constant 0 : i32
      %dma_start3A_138 = arith.constant 0 : i32
      %dma_start3A_139 = tpu.memref_slice %arg7[%dma_start3A_136, %dma_start3A_137, %dma_start3A_138] : memref<2x8x2048xf32, #tpu.memory_space<vmem>> -> memref<1x8x2048xf32, #tpu.memory_space<vmem>>
      %dma_start3A_140 = tpu.memref_squeeze %dma_start3A_139 : memref<1x8x2048xf32, #tpu.memory_space<vmem>> -> memref<8x2048xf32, #tpu.memory_space<vmem>>
      %dma_start3A_141 = arith.constant 0 : i32
      %dma_start3A_142 = tpu.memref_slice %arg4[%add3A_135, %mul3A_11, %dma_start3A_141] : memref<512x64x2048xf32, #tpu.memory_space<hbm>> -> memref<1x8x2048xf32, #tpu.memory_space<hbm>>
      %dma_start3A_143 = tpu.memref_squeeze %dma_start3A_142 : memref<1x8x2048xf32, #tpu.memory_space<hbm>> -> memref<8x2048xf32, #tpu.memory_space<hbm>>
      %dma_start3A_144 = arith.constant 0 : i32
      %dma_start3A_145 = tpu.memref_slice %arg4[%add3A_135, %mul3A_11, %dma_start3A_144] : memref<512x64x2048xf32, #tpu.memory_space<hbm>> -> memref<1x8x2048xf32, #tpu.memory_space<hbm>>
      %dma_start3A_146 = tpu.memref_squeeze %dma_start3A_145 : memref<1x8x2048xf32, #tpu.memory_space<hbm>> -> memref<8x2048xf32, #tpu.memory_space<hbm>>
      %dma_start3A_147 = arith.constant 0 : i32
      %dma_start3A_148 = arith.constant 0 : i32
      %dma_start3A_149 = tpu.memref_slice %arg7[%dma_start3A_136, %dma_start3A_147, %dma_start3A_148] : memref<2x8x2048xf32, #tpu.memory_space<vmem>> -> memref<1x8x2048xf32, #tpu.memory_space<vmem>>
      %dma_start3A_150 = tpu.memref_squeeze %dma_start3A_149 : memref<1x8x2048xf32, #tpu.memory_space<vmem>> -> memref<8x2048xf32, #tpu.memory_space<vmem>>
      tpu.enqueue_dma source(%dma_start3A_150 : memref<8x2048xf32, #tpu.memory_space<vmem>>) target(%dma_start3A_146 : memref<8x2048xf32, #tpu.memory_space<hbm>>) target_semaphore(%arg10 : memref<!tpu.dma_semaphore, #tpu.memory_space<semaphore_mem>>)
      %add3A_151 = arith.constant 2 : i32
      %add3A_152 = arith.addi %mul3A_106, %add3A_151 : i32
      %lt3A_153 = arith.constant 48 : i32
      %lt3A_154 = arith.cmpi slt, %add3A_152, %lt3A_153 : i32
      %convert_element_type3A_155 = arith.extui %lt3A_154 : i1 to i32
      %cond3A_156 = arith.constant 0 : i32
      %cond3A_157 = arith.cmpi ne, %convert_element_type3A_155, %cond3A_156 : i32
      scf.if %cond3A_157 {
        %add3A_216 = arith.constant 2 : i32
        %add3A_217 = arith.addi %mul3A_106, %add3A_216 : i32
        %mul3A_218 = arith.constant 4 : i32
        %mul3A_219 = arith.muli %add3A_217, %mul3A_218 : i32
        %add3A_220 = arith.addi %select_n3A_32, %mul3A_219 : i32
        %dma_start3A_221 = arith.constant 0 : i32
        %dma_start3A_222 = arith.constant 0 : i32
        %dma_start3A_223 = arith.constant 0 : i32
        %dma_start3A_224 = tpu.memref_slice %arg6[%dma_start3A_221, %dma_start3A_222, %dma_start3A_223] : memref<2x8x2048xf32, #tpu.memory_space<vmem>> -> memref<1x8x2048xf32, #tpu.memory_space<vmem>>
        %dma_start3A_225 = tpu.memref_squeeze %dma_start3A_224 : memref<1x8x2048xf32, #tpu.memory_space<vmem>> -> memref<8x2048xf32, #tpu.memory_space<vmem>>
        %dma_start3A_226 = arith.constant 0 : i32
        %dma_start3A_227 = tpu.memref_slice %arg2[%add3A_220, %mul3A_11, %dma_start3A_226] : memref<512x64x2048xf32, #tpu.memory_space<hbm>> -> memref<1x8x2048xf32, #tpu.memory_space<hbm>>
        %dma_start3A_228 = tpu.memref_squeeze %dma_start3A_227 : memref<1x8x2048xf32, #tpu.memory_space<hbm>> -> memref<8x2048xf32, #tpu.memory_space<hbm>>
        %dma_start3A_229 = arith.constant 0 : i32
        %dma_start3A_230 = arith.constant 0 : i32
        %dma_start3A_231 = tpu.memref_slice %arg6[%dma_start3A_221, %dma_start3A_229, %dma_start3A_230] : memref<2x8x2048xf32, #tpu.memory_space<vmem>> -> memref<1x8x2048xf32, #tpu.memory_space<vmem>>
        %dma_start3A_232 = tpu.memref_squeeze %dma_start3A_231 : memref<1x8x2048xf32, #tpu.memory_space<vmem>> -> memref<8x2048xf32, #tpu.memory_space<vmem>>
        %dma_start3A_233 = arith.constant 0 : i32
        %dma_start3A_234 = tpu.memref_slice %arg2[%add3A_220, %mul3A_11, %dma_start3A_233] : memref<512x64x2048xf32, #tpu.memory_space<hbm>> -> memref<1x8x2048xf32, #tpu.memory_space<hbm>>
        %dma_start3A_235 = tpu.memref_squeeze %dma_start3A_234 : memref<1x8x2048xf32, #tpu.memory_space<hbm>> -> memref<8x2048xf32, #tpu.memory_space<hbm>>
        tpu.enqueue_dma source(%dma_start3A_235 : memref<8x2048xf32, #tpu.memory_space<hbm>>) target(%dma_start3A_232 : memref<8x2048xf32, #tpu.memory_space<vmem>>) target_semaphore(%arg8 : memref<!tpu.dma_semaphore, #tpu.memory_space<semaphore_mem>>)
      } else {
      }
      %mul3A_158 = arith.constant 2 : i32
      %mul3A_159 = arith.muli %scan3A_104, %mul3A_158 : i32
      %add3A_160 = arith.constant 1 : i32
      %add3A_161 = arith.addi %mul3A_159, %add3A_160 : i32
      %mul3A_162 = arith.constant 4 : i32
      %mul3A_163 = arith.muli %add3A_161, %mul3A_162 : i32
      %add3A_164 = arith.addi %select_n3A_32, %mul3A_163 : i32
      %dma_wait3A_165 = arith.constant 1 : i32
      %dma_wait3A_166 = arith.constant 0 : i32
      %dma_wait3A_167 = arith.constant 0 : i32
      %dma_wait3A_168 = tpu.memref_slice %arg6[%dma_wait3A_165, %dma_wait3A_166, %dma_wait3A_167] : memref<2x8x2048xf32, #tpu.memory_space<vmem>> -> memref<1x8x2048xf32, #tpu.memory_space<vmem>>
      %dma_wait3A_169 = tpu.memref_squeeze %dma_wait3A_168 : memref<1x8x2048xf32, #tpu.memory_space<vmem>> -> memref<8x2048xf32, #tpu.memory_space<vmem>>
      %dma_wait3A_170 = arith.constant 0 : i32
      %dma_wait3A_171 = tpu.memref_slice %arg2[%add3A_164, %mul3A_11, %dma_wait3A_170] : memref<512x64x2048xf32, #tpu.memory_space<hbm>> -> memref<1x8x2048xf32, #tpu.memory_space<hbm>>
      %dma_wait3A_172 = tpu.memref_squeeze %dma_wait3A_171 : memref<1x8x2048xf32, #tpu.memory_space<hbm>> -> memref<8x2048xf32, #tpu.memory_space<hbm>>
      %dma_wait3A_173 = arith.constant 0 : i32
      %dma_wait3A_174 = arith.constant 0 : i32
      %dma_wait3A_175 = tpu.memref_slice %arg6[%dma_wait3A_165, %dma_wait3A_173, %dma_wait3A_174] : memref<2x8x2048xf32, #tpu.memory_space<vmem>> -> memref<1x8x2048xf32, #tpu.memory_space<vmem>>
      %dma_wait3A_176 = tpu.memref_squeeze %dma_wait3A_175 : memref<1x8x2048xf32, #tpu.memory_space<vmem>> -> memref<8x2048xf32, #tpu.memory_space<vmem>>
      %dma_wait3A_177 = arith.constant 0 : i32
      %dma_wait3A_178 = tpu.memref_slice %arg2[%add3A_164, %mul3A_11, %dma_wait3A_177] : memref<512x64x2048xf32, #tpu.memory_space<hbm>> -> memref<1x8x2048xf32, #tpu.memory_space<hbm>>
      %dma_wait3A_179 = tpu.memref_squeeze %dma_wait3A_178 : memref<1x8x2048xf32, #tpu.memory_space<hbm>> -> memref<8x2048xf32, #tpu.memory_space<hbm>>
      tpu.wait_dma2 semaphore(%arg9 : memref<!tpu.dma_semaphore, #tpu.memory_space<semaphore_mem>>) src(%dma_wait3A_179 : memref<8x2048xf32, #tpu.memory_space<hbm>>) dst(%dma_wait3A_176 : memref<8x2048xf32, #tpu.memory_space<vmem>>)
      %ge3A_180 = arith.constant 2 : i32
      %ge3A_181 = arith.cmpi sge, %add3A_161, %ge3A_180 : i32
      %convert_element_type3A_182 = arith.extui %ge3A_181 : i1 to i32
      %cond3A_183 = arith.constant 0 : i32
      %cond3A_184 = arith.cmpi ne, %convert_element_type3A_182, %cond3A_183 : i32
      scf.if %cond3A_184 {
        %sub3A_216 = arith.constant 2 : i32
        %sub3A_217 = arith.subi %add3A_161, %sub3A_216 : i32
        %mul3A_218 = arith.constant 4 : i32
        %mul3A_219 = arith.muli %sub3A_217, %mul3A_218 : i32
        %add3A_220 = arith.addi %select_n3A_32, %mul3A_219 : i32
        %dma_wait3A_221 = arith.constant 1 : i32
        %dma_wait3A_222 = arith.constant 0 : i32
        %dma_wait3A_223 = arith.constant 0 : i32
        %dma_wait3A_224 = tpu.memref_slice %arg7[%dma_wait3A_221, %dma_wait3A_222, %dma_wait3A_223] : memref<2x8x2048xf32, #tpu.memory_space<vmem>> -> memref<1x8x2048xf32, #tpu.memory_space<vmem>>
        %dma_wait3A_225 = tpu.memref_squeeze %dma_wait3A_224 : memref<1x8x2048xf32, #tpu.memory_space<vmem>> -> memref<8x2048xf32, #tpu.memory_space<vmem>>
        %dma_wait3A_226 = arith.constant 0 : i32
        %dma_wait3A_227 = tpu.memref_slice %arg4[%add3A_220, %mul3A_11, %dma_wait3A_226] : memref<512x64x2048xf32, #tpu.memory_space<hbm>> -> memref<1x8x2048xf32, #tpu.memory_space<hbm>>
        %dma_wait3A_228 = tpu.memref_squeeze %dma_wait3A_227 : memref<1x8x2048xf32, #tpu.memory_space<hbm>> -> memref<8x2048xf32, #tpu.memory_space<hbm>>
        %dma_wait3A_229 = arith.constant 0 : i32
        %dma_wait3A_230 = tpu.memref_slice %arg4[%add3A_220, %mul3A_11, %dma_wait3A_229] : memref<512x64x2048xf32, #tpu.memory_space<hbm>> -> memref<1x8x2048xf32, #tpu.memory_space<hbm>>
        %dma_wait3A_231 = tpu.memref_squeeze %dma_wait3A_230 : memref<1x8x2048xf32, #tpu.memory_space<hbm>> -> memref<8x2048xf32, #tpu.memory_space<hbm>>
        %dma_wait3A_232 = arith.constant 0 : i32
        %dma_wait3A_233 = arith.constant 0 : i32
        %dma_wait3A_234 = tpu.memref_slice %arg7[%dma_wait3A_221, %dma_wait3A_232, %dma_wait3A_233] : memref<2x8x2048xf32, #tpu.memory_space<vmem>> -> memref<1x8x2048xf32, #tpu.memory_space<vmem>>
        %dma_wait3A_235 = tpu.memref_squeeze %dma_wait3A_234 : memref<1x8x2048xf32, #tpu.memory_space<vmem>> -> memref<8x2048xf32, #tpu.memory_space<vmem>>
        tpu.wait_dma2 semaphore(%arg11 : memref<!tpu.dma_semaphore, #tpu.memory_space<semaphore_mem>>) src(%dma_wait3A_235 : memref<8x2048xf32, #tpu.memory_space<vmem>>) dst(%dma_wait3A_231 : memref<8x2048xf32, #tpu.memory_space<hbm>>)
      } else {
      }
      %scan3A_185 = arith.constant 0 : i32
      %scan3A_186 = arith.constant 0 : i32
      %scan3A_187 = arith.constant 128 : i32
      %scan3A_188 = arith.addi %scan3A_186, %scan3A_187 : i32
      %scan3A_189 = arith.constant 1 : i32
      scf.for %scan3A_216 = %scan3A_186 to %scan3A_188 step %scan3A_189  : i32 {
        %mul3A_217 = arith.constant 16 : i32
        %mul3A_218 = arith.muli %scan3A_216, %mul3A_217 : i32
        %get3A = arith.constant 1 : i32
        %get3A_219 = arith.constant 0 : i32
        %get3A_220 = arith.index_cast %get3A : i32 to index
        %get3A_221 = arith.index_cast %get3A_219 : i32 to index
        %get3A_222 = arith.index_cast %mul3A_218 : i32 to index
        %get3A_223 = tpu.vector_load %arg6[%get3A_220, %get3A_221, %get3A_222] {strides = array<i32>} : memref<2x8x2048xf32, #tpu.memory_space<vmem>>, vector<1x1x16xf32>,
        %get3A_224 = vector.shape_cast %get3A_223 : vector<1x1x16xf32> to vector<16xf32>
        %get3A_225 = arith.constant 0 : i32
        %get3A_226 = arith.index_cast %get3A_225 : i32 to index
        %get3A_227 = arith.index_cast %mul3A_218 : i32 to index
        %get3A_228 = tpu.vector_load %arg5[%get3A_226, %get3A_227] {strides = array<i32>} : memref<8x2048xf32, #tpu.memory_space<vmem>>, vector<1x16xf32>,
        %get3A_229 = vector.shape_cast %get3A_228 : vector<1x16xf32> to vector<16xf32>
        %add3A_230 = arith.addf %get3A_224, %get3A_229 : vector<16xf32>
        %swap3A = arith.constant 1 : i32
        %swap3A_231 = arith.constant 0 : i32
        %swap3A_232 = arith.index_cast %swap3A : i32 to index
        %swap3A_233 = arith.index_cast %swap3A_231 : i32 to index
        %swap3A_234 = arith.index_cast %mul3A_218 : i32 to index
        %swap3A_235 = tpu.vector_load %arg7[%swap3A_232, %swap3A_233, %swap3A_234] {strides = array<i32>} : memref<2x8x2048xf32, #tpu.memory_space<vmem>>, vector<1x1x16xf32>,
        %swap3A_236 = vector.shape_cast %swap3A_235 : vector<1x1x16xf32> to vector<16xf32>
        %swap3A_237 = vector.shape_cast %add3A_230 : vector<16xf32> to vector<1x1x16xf32>
        tpu.vector_store %arg7[%swap3A_232, %swap3A_233, %swap3A_234], %swap3A_237 {strides = array<i32>} : memref<2x8x2048xf32, #tpu.memory_space<vmem>>, vector<1x1x16xf32>,
        %get3A_238 = arith.constant 1 : i32
        %get3A_239 = arith.constant 1 : i32
        %get3A_240 = arith.index_cast %get3A_238 : i32 to index
        %get3A_241 = arith.index_cast %get3A_239 : i32 to index
        %get3A_242 = arith.index_cast %mul3A_218 : i32 to index
        %get3A_243 = tpu.vector_load %arg6[%get3A_240, %get3A_241, %get3A_242] {strides = array<i32>} : memref<2x8x2048xf32, #tpu.memory_space<vmem>>, vector<1x1x16xf32>,
        %get3A_244 = vector.shape_cast %get3A_243 : vector<1x1x16xf32> to vector<16xf32>
        %get3A_245 = arith.constant 1 : i32
        %get3A_246 = arith.index_cast %get3A_245 : i32 to index
        %get3A_247 = arith.index_cast %mul3A_218 : i32 to index
        %get3A_248 = tpu.vector_load %arg5[%get3A_246, %get3A_247] {strides = array<i32>} : memref<8x2048xf32, #tpu.memory_space<vmem>>, vector<1x16xf32>,
        %get3A_249 = vector.shape_cast %get3A_248 : vector<1x16xf32> to vector<16xf32>
        %add3A_250 = arith.addf %get3A_244, %get3A_249 : vector<16xf32>
        %swap3A_251 = arith.constant 1 : i32
        %swap3A_252 = arith.constant 1 : i32
        %swap3A_253 = arith.index_cast %swap3A_251 : i32 to index
        %swap3A_254 = arith.index_cast %swap3A_252 : i32 to index
        %swap3A_255 = arith.index_cast %mul3A_218 : i32 to index
        %swap3A_256 = tpu.vector_load %arg7[%swap3A_253, %swap3A_254, %swap3A_255] {strides = array<i32>} : memref<2x8x2048xf32, #tpu.memory_space<vmem>>, vector<1x1x16xf32>,
        %swap3A_257 = vector.shape_cast %swap3A_256 : vector<1x1x16xf32> to vector<16xf32>
        %swap3A_258 = vector.shape_cast %add3A_250 : vector<16xf32> to vector<1x1x16xf32>
        tpu.vector_store %arg7[%swap3A_253, %swap3A_254, %swap3A_255], %swap3A_258 {strides = array<i32>} : memref<2x8x2048xf32, #tpu.memory_space<vmem>>, vector<1x1x16xf32>,
        %get3A_259 = arith.constant 1 : i32
        %get3A_260 = arith.constant 2 : i32
        %get3A_261 = arith.index_cast %get3A_259 : i32 to index
        %get3A_262 = arith.index_cast %get3A_260 : i32 to index
        %get3A_263 = arith.index_cast %mul3A_218 : i32 to index
        %get3A_264 = tpu.vector_load %arg6[%get3A_261, %get3A_262, %get3A_263] {strides = array<i32>} : memref<2x8x2048xf32, #tpu.memory_space<vmem>>, vector<1x1x16xf32>,
        %get3A_265 = vector.shape_cast %get3A_264 : vector<1x1x16xf32> to vector<16xf32>
        %get3A_266 = arith.constant 2 : i32
        %get3A_267 = arith.index_cast %get3A_266 : i32 to index
        %get3A_268 = arith.index_cast %mul3A_218 : i32 to index
        %get3A_269 = tpu.vector_load %arg5[%get3A_267, %get3A_268] {strides = array<i32>} : memref<8x2048xf32, #tpu.memory_space<vmem>>, vector<1x16xf32>,
        %get3A_270 = vector.shape_cast %get3A_269 : vector<1x16xf32> to vector<16xf32>
        %add3A_271 = arith.addf %get3A_265, %get3A_270 : vector<16xf32>
        %swap3A_272 = arith.constant 1 : i32
        %swap3A_273 = arith.constant 2 : i32
        %swap3A_274 = arith.index_cast %swap3A_272 : i32 to index
        %swap3A_275 = arith.index_cast %swap3A_273 : i32 to index
        %swap3A_276 = arith.index_cast %mul3A_218 : i32 to index
        %swap3A_277 = tpu.vector_load %arg7[%swap3A_274, %swap3A_275, %swap3A_276] {strides = array<i32>} : memref<2x8x2048xf32, #tpu.memory_space<vmem>>, vector<1x1x16xf32>,
        %swap3A_278 = vector.shape_cast %swap3A_277 : vector<1x1x16xf32> to vector<16xf32>
        %swap3A_279 = vector.shape_cast %add3A_271 : vector<16xf32> to vector<1x1x16xf32>
        tpu.vector_store %arg7[%swap3A_274, %swap3A_275, %swap3A_276], %swap3A_279 {strides = array<i32>} : memref<2x8x2048xf32, #tpu.memory_space<vmem>>, vector<1x1x16xf32>,
        %get3A_280 = arith.constant 1 : i32
        %get3A_281 = arith.constant 3 : i32
        %get3A_282 = arith.index_cast %get3A_280 : i32 to index
        %get3A_283 = arith.index_cast %get3A_281 : i32 to index
        %get3A_284 = arith.index_cast %mul3A_218 : i32 to index
        %get3A_285 = tpu.vector_load %arg6[%get3A_282, %get3A_283, %get3A_284] {strides = array<i32>} : memref<2x8x2048xf32, #tpu.memory_space<vmem>>, vector<1x1x16xf32>,
        %get3A_286 = vector.shape_cast %get3A_285 : vector<1x1x16xf32> to vector<16xf32>
        %get3A_287 = arith.constant 3 : i32
        %get3A_288 = arith.index_cast %get3A_287 : i32 to index
        %get3A_289 = arith.index_cast %mul3A_218 : i32 to index
        %get3A_290 = tpu.vector_load %arg5[%get3A_288, %get3A_289] {strides = array<i32>} : memref<8x2048xf32, #tpu.memory_space<vmem>>, vector<1x16xf32>,
        %get3A_291 = vector.shape_cast %get3A_290 : vector<1x16xf32> to vector<16xf32>
        %add3A_292 = arith.addf %get3A_286, %get3A_291 : vector<16xf32>
        %swap3A_293 = arith.constant 1 : i32
        %swap3A_294 = arith.constant 3 : i32
        %swap3A_295 = arith.index_cast %swap3A_293 : i32 to index
        %swap3A_296 = arith.index_cast %swap3A_294 : i32 to index
        %swap3A_297 = arith.index_cast %mul3A_218 : i32 to index
        %swap3A_298 = tpu.vector_load %arg7[%swap3A_295, %swap3A_296, %swap3A_297] {strides = array<i32>} : memref<2x8x2048xf32, #tpu.memory_space<vmem>>, vector<1x1x16xf32>,
        %swap3A_299 = vector.shape_cast %swap3A_298 : vector<1x1x16xf32> to vector<16xf32>
        %swap3A_300 = vector.shape_cast %add3A_292 : vector<16xf32> to vector<1x1x16xf32>
        tpu.vector_store %arg7[%swap3A_295, %swap3A_296, %swap3A_297], %swap3A_300 {strides = array<i32>} : memref<2x8x2048xf32, #tpu.memory_space<vmem>>, vector<1x1x16xf32>,
        %get3A_301 = arith.constant 1 : i32
        %get3A_302 = arith.constant 4 : i32
        %get3A_303 = arith.index_cast %get3A_301 : i32 to index
        %get3A_304 = arith.index_cast %get3A_302 : i32 to index
        %get3A_305 = arith.index_cast %mul3A_218 : i32 to index
        %get3A_306 = tpu.vector_load %arg6[%get3A_303, %get3A_304, %get3A_305] {strides = array<i32>} : memref<2x8x2048xf32, #tpu.memory_space<vmem>>, vector<1x1x16xf32>,
        %get3A_307 = vector.shape_cast %get3A_306 : vector<1x1x16xf32> to vector<16xf32>
        %get3A_308 = arith.constant 4 : i32
        %get3A_309 = arith.index_cast %get3A_308 : i32 to index
        %get3A_310 = arith.index_cast %mul3A_218 : i32 to index
        %get3A_311 = tpu.vector_load %arg5[%get3A_309, %get3A_310] {strides = array<i32>} : memref<8x2048xf32, #tpu.memory_space<vmem>>, vector<1x16xf32>,
        %get3A_312 = vector.shape_cast %get3A_311 : vector<1x16xf32> to vector<16xf32>
        %add3A_313 = arith.addf %get3A_307, %get3A_312 : vector<16xf32>
        %swap3A_314 = arith.constant 1 : i32
        %swap3A_315 = arith.constant 4 : i32
        %swap3A_316 = arith.index_cast %swap3A_314 : i32 to index
        %swap3A_317 = arith.index_cast %swap3A_315 : i32 to index
        %swap3A_318 = arith.index_cast %mul3A_218 : i32 to index
        %swap3A_319 = tpu.vector_load %arg7[%swap3A_316, %swap3A_317, %swap3A_318] {strides = array<i32>} : memref<2x8x2048xf32, #tpu.memory_space<vmem>>, vector<1x1x16xf32>,
        %swap3A_320 = vector.shape_cast %swap3A_319 : vector<1x1x16xf32> to vector<16xf32>
        %swap3A_321 = vector.shape_cast %add3A_313 : vector<16xf32> to vector<1x1x16xf32>
        tpu.vector_store %arg7[%swap3A_316, %swap3A_317, %swap3A_318], %swap3A_321 {strides = array<i32>} : memref<2x8x2048xf32, #tpu.memory_space<vmem>>, vector<1x1x16xf32>,
        %get3A_322 = arith.constant 1 : i32
        %get3A_323 = arith.constant 5 : i32
        %get3A_324 = arith.index_cast %get3A_322 : i32 to index
        %get3A_325 = arith.index_cast %get3A_323 : i32 to index
        %get3A_326 = arith.index_cast %mul3A_218 : i32 to index
        %get3A_327 = tpu.vector_load %arg6[%get3A_324, %get3A_325, %get3A_326] {strides = array<i32>} : memref<2x8x2048xf32, #tpu.memory_space<vmem>>, vector<1x1x16xf32>,
        %get3A_328 = vector.shape_cast %get3A_327 : vector<1x1x16xf32> to vector<16xf32>
        %get3A_329 = arith.constant 5 : i32
        %get3A_330 = arith.index_cast %get3A_329 : i32 to index
        %get3A_331 = arith.index_cast %mul3A_218 : i32 to index
        %get3A_332 = tpu.vector_load %arg5[%get3A_330, %get3A_331] {strides = array<i32>} : memref<8x2048xf32, #tpu.memory_space<vmem>>, vector<1x16xf32>,
        %get3A_333 = vector.shape_cast %get3A_332 : vector<1x16xf32> to vector<16xf32>
        %add3A_334 = arith.addf %get3A_328, %get3A_333 : vector<16xf32>
        %swap3A_335 = arith.constant 1 : i32
        %swap3A_336 = arith.constant 5 : i32
        %swap3A_337 = arith.index_cast %swap3A_335 : i32 to index
        %swap3A_338 = arith.index_cast %swap3A_336 : i32 to index
        %swap3A_339 = arith.index_cast %mul3A_218 : i32 to index
        %swap3A_340 = tpu.vector_load %arg7[%swap3A_337, %swap3A_338, %swap3A_339] {strides = array<i32>} : memref<2x8x2048xf32, #tpu.memory_space<vmem>>, vector<1x1x16xf32>,
        %swap3A_341 = vector.shape_cast %swap3A_340 : vector<1x1x16xf32> to vector<16xf32>
        %swap3A_342 = vector.shape_cast %add3A_334 : vector<16xf32> to vector<1x1x16xf32>
        tpu.vector_store %arg7[%swap3A_337, %swap3A_338, %swap3A_339], %swap3A_342 {strides = array<i32>} : memref<2x8x2048xf32, #tpu.memory_space<vmem>>, vector<1x1x16xf32>,
        %get3A_343 = arith.constant 1 : i32
        %get3A_344 = arith.constant 6 : i32
        %get3A_345 = arith.index_cast %get3A_343 : i32 to index
        %get3A_346 = arith.index_cast %get3A_344 : i32 to index
        %get3A_347 = arith.index_cast %mul3A_218 : i32 to index
        %get3A_348 = tpu.vector_load %arg6[%get3A_345, %get3A_346, %get3A_347] {strides = array<i32>} : memref<2x8x2048xf32, #tpu.memory_space<vmem>>, vector<1x1x16xf32>,
        %get3A_349 = vector.shape_cast %get3A_348 : vector<1x1x16xf32> to vector<16xf32>
        %get3A_350 = arith.constant 6 : i32
        %get3A_351 = arith.index_cast %get3A_350 : i32 to index
        %get3A_352 = arith.index_cast %mul3A_218 : i32 to index
        %get3A_353 = tpu.vector_load %arg5[%get3A_351, %get3A_352] {strides = array<i32>} : memref<8x2048xf32, #tpu.memory_space<vmem>>, vector<1x16xf32>,
        %get3A_354 = vector.shape_cast %get3A_353 : vector<1x16xf32> to vector<16xf32>
        %add3A_355 = arith.addf %get3A_349, %get3A_354 : vector<16xf32>
        %swap3A_356 = arith.constant 1 : i32
        %swap3A_357 = arith.constant 6 : i32
        %swap3A_358 = arith.index_cast %swap3A_356 : i32 to index
        %swap3A_359 = arith.index_cast %swap3A_357 : i32 to index
        %swap3A_360 = arith.index_cast %mul3A_218 : i32 to index
        %swap3A_361 = tpu.vector_load %arg7[%swap3A_358, %swap3A_359, %swap3A_360] {strides = array<i32>} : memref<2x8x2048xf32, #tpu.memory_space<vmem>>, vector<1x1x16xf32>,
        %swap3A_362 = vector.shape_cast %swap3A_361 : vector<1x1x16xf32> to vector<16xf32>
        %swap3A_363 = vector.shape_cast %add3A_355 : vector<16xf32> to vector<1x1x16xf32>
        tpu.vector_store %arg7[%swap3A_358, %swap3A_359, %swap3A_360], %swap3A_363 {strides = array<i32>} : memref<2x8x2048xf32, #tpu.memory_space<vmem>>, vector<1x1x16xf32>,
        %get3A_364 = arith.constant 1 : i32
        %get3A_365 = arith.constant 7 : i32
        %get3A_366 = arith.index_cast %get3A_364 : i32 to index
        %get3A_367 = arith.index_cast %get3A_365 : i32 to index
        %get3A_368 = arith.index_cast %mul3A_218 : i32 to index
        %get3A_369 = tpu.vector_load %arg6[%get3A_366, %get3A_367, %get3A_368] {strides = array<i32>} : memref<2x8x2048xf32, #tpu.memory_space<vmem>>, vector<1x1x16xf32>,
        %get3A_370 = vector.shape_cast %get3A_369 : vector<1x1x16xf32> to vector<16xf32>
        %get3A_371 = arith.constant 7 : i32
        %get3A_372 = arith.index_cast %get3A_371 : i32 to index
        %get3A_373 = arith.index_cast %mul3A_218 : i32 to index
        %get3A_374 = tpu.vector_load %arg5[%get3A_372, %get3A_373] {strides = array<i32>} : memref<8x2048xf32, #tpu.memory_space<vmem>>, vector<1x16xf32>,
        %get3A_375 = vector.shape_cast %get3A_374 : vector<1x16xf32> to vector<16xf32>
        %add3A_376 = arith.addf %get3A_370, %get3A_375 : vector<16xf32>
        %swap3A_377 = arith.constant 1 : i32
        %swap3A_378 = arith.constant 7 : i32
        %swap3A_379 = arith.index_cast %swap3A_377 : i32 to index
        %swap3A_380 = arith.index_cast %swap3A_378 : i32 to index
        %swap3A_381 = arith.index_cast %mul3A_218 : i32 to index
        %swap3A_382 = tpu.vector_load %arg7[%swap3A_379, %swap3A_380, %swap3A_381] {strides = array<i32>} : memref<2x8x2048xf32, #tpu.memory_space<vmem>>, vector<1x1x16xf32>,
        %swap3A_383 = vector.shape_cast %swap3A_382 : vector<1x1x16xf32> to vector<16xf32>
        %swap3A_384 = vector.shape_cast %add3A_376 : vector<16xf32> to vector<1x1x16xf32>
        tpu.vector_store %arg7[%swap3A_379, %swap3A_380, %swap3A_381], %swap3A_384 {strides = array<i32>} : memref<2x8x2048xf32, #tpu.memory_space<vmem>>, vector<1x1x16xf32>,
      }
      %scan3A_190 = arith.constant 128 : i32
      %mul3A_191 = arith.constant 4 : i32
      %mul3A_192 = arith.muli %add3A_161, %mul3A_191 : i32
      %add3A_193 = arith.addi %select_n3A_32, %mul3A_192 : i32
      %dma_start3A_194 = arith.constant 1 : i32
      %dma_start3A_195 = arith.constant 0 : i32
      %dma_start3A_196 = arith.constant 0 : i32
      %dma_start3A_197 = tpu.memref_slice %arg7[%dma_start3A_194, %dma_start3A_195, %dma_start3A_196] : memref<2x8x2048xf32, #tpu.memory_space<vmem>> -> memref<1x8x2048xf32, #tpu.memory_space<vmem>>
      %dma_start3A_198 = tpu.memref_squeeze %dma_start3A_197 : memref<1x8x2048xf32, #tpu.memory_space<vmem>> -> memref<8x2048xf32, #tpu.memory_space<vmem>>
      %dma_start3A_199 = arith.constant 0 : i32
      %dma_start3A_200 = tpu.memref_slice %arg4[%add3A_193, %mul3A_11, %dma_start3A_199] : memref<512x64x2048xf32, #tpu.memory_space<hbm>> -> memref<1x8x2048xf32, #tpu.memory_space<hbm>>
      %dma_start3A_201 = tpu.memref_squeeze %dma_start3A_200 : memref<1x8x2048xf32, #tpu.memory_space<hbm>> -> memref<8x2048xf32, #tpu.memory_space<hbm>>
      %dma_start3A_202 = arith.constant 0 : i32
      %dma_start3A_203 = tpu.memref_slice %arg4[%add3A_193, %mul3A_11, %dma_start3A_202] : memref<512x64x2048xf32, #tpu.memory_space<hbm>> -> memref<1x8x2048xf32, #tpu.memory_space<hbm>>
      %dma_start3A_204 = tpu.memref_squeeze %dma_start3A_203 : memref<1x8x2048xf32, #tpu.memory_space<hbm>> -> memref<8x2048xf32, #tpu.memory_space<hbm>>
      %dma_start3A_205 = arith.constant 0 : i32
      %dma_start3A_206 = arith.constant 0 : i32
      %dma_start3A_207 = tpu.memref_slice %arg7[%dma_start3A_194, %dma_start3A_205, %dma_start3A_206] : memref<2x8x2048xf32, #tpu.memory_space<vmem>> -> memref<1x8x2048xf32, #tpu.memory_space<vmem>>
      %dma_start3A_208 = tpu.memref_squeeze %dma_start3A_207 : memref<1x8x2048xf32, #tpu.memory_space<vmem>> -> memref<8x2048xf32, #tpu.memory_space<vmem>>
      tpu.enqueue_dma source(%dma_start3A_208 : memref<8x2048xf32, #tpu.memory_space<vmem>>) target(%dma_start3A_204 : memref<8x2048xf32, #tpu.memory_space<hbm>>) target_semaphore(%arg11 : memref<!tpu.dma_semaphore, #tpu.memory_space<semaphore_mem>>)
      %add3A_209 = arith.constant 2 : i32
      %add3A_210 = arith.addi %add3A_161, %add3A_209 : i32
      %lt3A_211 = arith.constant 48 : i32
      %lt3A_212 = arith.cmpi slt, %add3A_210, %lt3A_211 : i32
      %convert_element_type3A_213 = arith.extui %lt3A_212 : i1 to i32
      %cond3A_214 = arith.constant 0 : i32
      %cond3A_215 = arith.cmpi ne, %convert_element_type3A_213, %cond3A_214 : i32
      scf.if %cond3A_215 {
        %add3A_216 = arith.constant 2 : i32
        %add3A_217 = arith.addi %add3A_161, %add3A_216 : i32
        %mul3A_218 = arith.constant 4 : i32
        %mul3A_219 = arith.muli %add3A_217, %mul3A_218 : i32
        %add3A_220 = arith.addi %select_n3A_32, %mul3A_219 : i32
        %dma_start3A_221 = arith.constant 1 : i32
        %dma_start3A_222 = arith.constant 0 : i32
        %dma_start3A_223 = arith.constant 0 : i32
        %dma_start3A_224 = tpu.memref_slice %arg6[%dma_start3A_221, %dma_start3A_222, %dma_start3A_223] : memref<2x8x2048xf32, #tpu.memory_space<vmem>> -> memref<1x8x2048xf32, #tpu.memory_space<vmem>>
        %dma_start3A_225 = tpu.memref_squeeze %dma_start3A_224 : memref<1x8x2048xf32, #tpu.memory_space<vmem>> -> memref<8x2048xf32, #tpu.memory_space<vmem>>
        %dma_start3A_226 = arith.constant 0 : i32
        %dma_start3A_227 = tpu.memref_slice %arg2[%add3A_220, %mul3A_11, %dma_start3A_226] : memref<512x64x2048xf32, #tpu.memory_space<hbm>> -> memref<1x8x2048xf32, #tpu.memory_space<hbm>>
        %dma_start3A_228 = tpu.memref_squeeze %dma_start3A_227 : memref<1x8x2048xf32, #tpu.memory_space<hbm>> -> memref<8x2048xf32, #tpu.memory_space<hbm>>
        %dma_start3A_229 = arith.constant 0 : i32
        %dma_start3A_230 = arith.constant 0 : i32
        %dma_start3A_231 = tpu.memref_slice %arg6[%dma_start3A_221, %dma_start3A_229, %dma_start3A_230] : memref<2x8x2048xf32, #tpu.memory_space<vmem>> -> memref<1x8x2048xf32, #tpu.memory_space<vmem>>
        %dma_start3A_232 = tpu.memref_squeeze %dma_start3A_231 : memref<1x8x2048xf32, #tpu.memory_space<vmem>> -> memref<8x2048xf32, #tpu.memory_space<vmem>>
        %dma_start3A_233 = arith.constant 0 : i32
        %dma_start3A_234 = tpu.memref_slice %arg2[%add3A_220, %mul3A_11, %dma_start3A_233] : memref<512x64x2048xf32, #tpu.memory_space<hbm>> -> memref<1x8x2048xf32, #tpu.memory_space<hbm>>
        %dma_start3A_235 = tpu.memref_squeeze %dma_start3A_234 : memref<1x8x2048xf32, #tpu.memory_space<hbm>> -> memref<8x2048xf32, #tpu.memory_space<hbm>>
        tpu.enqueue_dma source(%dma_start3A_235 : memref<8x2048xf32, #tpu.memory_space<hbm>>) target(%dma_start3A_232 : memref<8x2048xf32, #tpu.memory_space<vmem>>) target_semaphore(%arg9 : memref<!tpu.dma_semaphore, #tpu.memory_space<semaphore_mem>>)
      } else {
      }
    }
    %scan3A_70 = arith.constant 24 : i32
    %add3A_71 = arith.constant 184 : i32
    %add3A_72 = arith.addi %select_n3A_32, %add3A_71 : i32
    %dma_wait3A = arith.constant 0 : i32
    %dma_wait3A_73 = arith.constant 0 : i32
    %dma_wait3A_74 = arith.constant 0 : i32
    %dma_wait3A_75 = tpu.memref_slice %arg7[%dma_wait3A, %dma_wait3A_73, %dma_wait3A_74] : memref<2x8x2048xf32, #tpu.memory_space<vmem>> -> memref<1x8x2048xf32, #tpu.memory_space<vmem>>
    %dma_wait3A_76 = tpu.memref_squeeze %dma_wait3A_75 : memref<1x8x2048xf32, #tpu.memory_space<vmem>> -> memref<8x2048xf32, #tpu.memory_space<vmem>>
    %dma_wait3A_77 = arith.constant 0 : i32
    %dma_wait3A_78 = tpu.memref_slice %arg4[%add3A_72, %mul3A_11, %dma_wait3A_77] : memref<512x64x2048xf32, #tpu.memory_space<hbm>> -> memref<1x8x2048xf32, #tpu.memory_space<hbm>>
    %dma_wait3A_79 = tpu.memref_squeeze %dma_wait3A_78 : memref<1x8x2048xf32, #tpu.memory_space<hbm>> -> memref<8x2048xf32, #tpu.memory_space<hbm>>
    %dma_wait3A_80 = arith.constant 0 : i32
    %dma_wait3A_81 = tpu.memref_slice %arg4[%add3A_72, %mul3A_11, %dma_wait3A_80] : memref<512x64x2048xf32, #tpu.memory_space<hbm>> -> memref<1x8x2048xf32, #tpu.memory_space<hbm>>
    %dma_wait3A_82 = tpu.memref_squeeze %dma_wait3A_81 : memref<1x8x2048xf32, #tpu.memory_space<hbm>> -> memref<8x2048xf32, #tpu.memory_space<hbm>>
    %dma_wait3A_83 = arith.constant 0 : i32
    %dma_wait3A_84 = arith.constant 0 : i32
    %dma_wait3A_85 = tpu.memref_slice %arg7[%dma_wait3A, %dma_wait3A_83, %dma_wait3A_84] : memref<2x8x2048xf32, #tpu.memory_space<vmem>> -> memref<1x8x2048xf32, #tpu.memory_space<vmem>>
    %dma_wait3A_86 = tpu.memref_squeeze %dma_wait3A_85 : memref<1x8x2048xf32, #tpu.memory_space<vmem>> -> memref<8x2048xf32, #tpu.memory_space<vmem>>
    tpu.wait_dma2 semaphore(%arg10 : memref<!tpu.dma_semaphore, #tpu.memory_space<semaphore_mem>>) src(%dma_wait3A_86 : memref<8x2048xf32, #tpu.memory_space<vmem>>) dst(%dma_wait3A_82 : memref<8x2048xf32, #tpu.memory_space<hbm>>)
    %add3A_87 = arith.constant 188 : i32
    %add3A_88 = arith.addi %select_n3A_32, %add3A_87 : i32
    %dma_wait3A_89 = arith.constant 1 : i32
    %dma_wait3A_90 = arith.constant 0 : i32
    %dma_wait3A_91 = arith.constant 0 : i32
    %dma_wait3A_92 = tpu.memref_slice %arg7[%dma_wait3A_89, %dma_wait3A_90, %dma_wait3A_91] : memref<2x8x2048xf32, #tpu.memory_space<vmem>> -> memref<1x8x2048xf32, #tpu.memory_space<vmem>>
    %dma_wait3A_93 = tpu.memref_squeeze %dma_wait3A_92 : memref<1x8x2048xf32, #tpu.memory_space<vmem>> -> memref<8x2048xf32, #tpu.memory_space<vmem>>
    %dma_wait3A_94 = arith.constant 0 : i32
    %dma_wait3A_95 = tpu.memref_slice %arg4[%add3A_88, %mul3A_11, %dma_wait3A_94] : memref<512x64x2048xf32, #tpu.memory_space<hbm>> -> memref<1x8x2048xf32, #tpu.memory_space<hbm>>
    %dma_wait3A_96 = tpu.memref_squeeze %dma_wait3A_95 : memref<1x8x2048xf32, #tpu.memory_space<hbm>> -> memref<8x2048xf32, #tpu.memory_space<hbm>>
    %dma_wait3A_97 = arith.constant 0 : i32
    %dma_wait3A_98 = tpu.memref_slice %arg4[%add3A_88, %mul3A_11, %dma_wait3A_97] : memref<512x64x2048xf32, #tpu.memory_space<hbm>> -> memref<1x8x2048xf32, #tpu.memory_space<hbm>>
    %dma_wait3A_99 = tpu.memref_squeeze %dma_wait3A_98 : memref<1x8x2048xf32, #tpu.memory_space<hbm>> -> memref<8x2048xf32, #tpu.memory_space<hbm>>
    %dma_wait3A_100 = arith.constant 0 : i32
    %dma_wait3A_101 = arith.constant 0 : i32
    %dma_wait3A_102 = tpu.memref_slice %arg7[%dma_wait3A_89, %dma_wait3A_100, %dma_wait3A_101] : memref<2x8x2048xf32, #tpu.memory_space<vmem>> -> memref<1x8x2048xf32, #tpu.memory_space<vmem>>
    %dma_wait3A_103 = tpu.memref_squeeze %dma_wait3A_102 : memref<1x8x2048xf32, #tpu.memory_space<vmem>> -> memref<8x2048xf32, #tpu.memory_space<vmem>>
    tpu.wait_dma2 semaphore(%arg11 : memref<!tpu.dma_semaphore, #tpu.memory_space<semaphore_mem>>) src(%dma_wait3A_103 : memref<8x2048xf32, #tpu.memory_space<vmem>>) dst(%dma_wait3A_99 : memref<8x2048xf32, #tpu.memory_space<hbm>>)
    return
  }
}

module attributes {stable_mosaic.version = 14 : i64} {
  func.func @_tc_body(%arg0: i32, %arg1: memref<8x64x2048xf32, #tpu.memory_space<vmem>>, %arg2: memref<64x2048xf32, #tpu.memory_space<vmem>>, %arg3: memref<512x64x2048xf32, #tpu.memory_space<any>>, %arg4: memref<8x64x2048xf32, #tpu.memory_space<vmem>>) attributes {dimension_semantics = [#tpu.dimension_semantics<arbitrary>], iteration_bounds = array<i64: 40>, scalar_prefetch = 0 : i64, scratch_operands = 0 : i64, tpu.core_type = #tpu.core_type<tc>, window_params = [{transform_indices = @transform_0, window_bounds = array<i64: 8, 64, 2048>}, {pipeline_mode = #tpu.pipeline_mode<synchronous>, transform_indices = @transform_1, window_bounds = array<i64: 64, 2048>}, {}, {transform_indices = @transform_3, window_bounds = array<i64: 8, 64, 2048>}]} {
    %get3A = arith.constant 0 : index
    %get3A_0 = arith.constant 0 : index
    %get3A_1 = arith.constant 0 : index
    %get3A_2 = vector.load %arg1[%get3A, %get3A_0, %get3A_1] : memref<8x64x2048xf32, #tpu.memory_space<vmem>>, vector<8x64x2048xf32>
    %get3A_3 = arith.constant 0 : index
    %get3A_4 = arith.constant 0 : index
    %get3A_5 = vector.load %arg2[%get3A_3, %get3A_4] : memref<64x2048xf32, #tpu.memory_space<vmem>>, vector<64x2048xf32>
    %broadcast_in_dim3A = vector.shape_cast %get3A_5 : vector<64x2048xf32> to vector<1x64x2048xf32>
    %add3A = vector.broadcast %broadcast_in_dim3A : vector<1x64x2048xf32> to vector<8x64x2048xf32>
    %add3A_6 = arith.addf %get3A_2, %add3A : vector<8x64x2048xf32>
    %swap3A = arith.constant 0 : index
    %swap3A_7 = arith.constant 0 : index
    %swap3A_8 = arith.constant 0 : index
    %swap3A_9 = vector.load %arg4[%swap3A, %swap3A_7, %swap3A_8] : memref<8x64x2048xf32, #tpu.memory_space<vmem>>, vector<8x64x2048xf32>
    tpu.vector_store %arg4[%swap3A, %swap3A_7, %swap3A_8], %add3A_6 {strides = array<i32>} : memref<8x64x2048xf32, #tpu.memory_space<vmem>>, vector<8x64x2048xf32>,
    return
  }
  func.func @transform_0(%arg0: i32) -> (i32, i32, i32) {
    %add3A = arith.constant 24 : i32
    %add3A_0 = arith.addi %arg0, %add3A : i32
    %c0_i32 = arith.constant 0 : i32
    %c0_i32_1 = arith.constant 0 : i32
    %c0_i32_2 = arith.constant 0 : i32
    return %add3A_0, %c0_i32, %c0_i32_1 : i32, i32, i32
  }
  func.func @transform_1(%arg0: i32) -> (i32, i32) {
    %c0_i32 = arith.constant 0 : i32
    %c0_i32_0 = arith.constant 0 : i32
    %c0_i32_1 = arith.constant 0 : i32
    return %c0_i32, %c0_i32_0 : i32, i32
  }
  func.func @transform_3(%arg0: i32) -> (i32, i32, i32) {
    %add3A = arith.constant 24 : i32
    %add3A_0 = arith.addi %arg0, %add3A : i32
    %c0_i32 = arith.constant 0 : i32
    %c0_i32_1 = arith.constant 0 : i32
    %c0_i32_2 = arith.constant 0 : i32
    return %add3A_0, %c0_i32, %c0_i32_1 : i32, i32, i32
  }
}

</mosaic_0001>

<sc_bundles>
// kernel: kernel.4.cloned.1.call-start
scs
__scs_entry_jumppad:
0x0: {  	(pc) =	sbr.rel $0x88, $3  }
0x1: {  	(tag) =	ssettag $0x0;
	lr =	simm.s32 $0x1  }
0x2: {  	[smem:$0x3F9F] =	sst lr;
	_ =	strace $0xD0000000  }
0x3: {  	_ = 	snop  }
0x4: {  	_ = 	snop  }
0x5: {  	_ = 	snop  }
0x6: {  	_ = 	snop  }
0x7: {  	_ = 	snop  }
__scs_overlays_trampoline_lowered:
0x8: {  	[smem:$0x3FAE] =	sst s0  }
0x9: {  	[smem:$0x3FAF] =	sst s1  }
0xa: {  	[smem:$0x3FB0] =	sst s2  }
0xb: {  	[smem:$0x3FB1] =	sst s3  }
0xc: {  	[smem:$0x3FB2] =	sst s4  }
0xd: {  	[smem:$0x3FB3] =	sst s5  }
0xe: {  	[smem:$0x3FB4] =	sst s6  }
0xf: {  	[smem:$0x3FB5] =	sst s7  }
0x10: {  	[smem:$0x3FB6] =	sst s8  }
0x11: {  	[smem:$0x3FB7] =	sst s9;
	s0 =	simm.s32 @!p0 $0x0  }
0x12: {  	s1 =	sld [smem:$0x3F9D];
	s0 =	simm.s32 @p0 $0x1  }
0x13: {  	[smem:$0x3FB8] =	sst s0;
	s0 =	simm.s32 @!p1 $0x0  }
0x14: {  	s2 =	sld [smem:$0x3F9C];
	s0 =	simm.s32 @p1 $0x1  }
0x15: {  	[smem:$0x3FB9] =	sst s0;
	s0 =	simm.s32 @!p2 $0x0  }
0x16: {  	s3 =	sld [smem:$0x3FDB];
	s0 =	simm.s32 @p2 $0x1  }
0x17: {  	s4 =	simm.s32 $0x1BF5;
	[smem:$0x3FBB] =	sst s0  }
0x18: {  	s0 =	sld [smem:$0x3F9E];
	_ =	swait.ge [sflag:s4], $0x0  }
0x19: {  	s7 =	sld [smem:$0x3F9F]  }
0x1a: {  	s8 =	sadd.s32 $0xFFFFE003, lr  }
0x1b: {  	s9 =	sadd.s32 $0xFFFFFEF7, lr;
	s5 =	simm.s32 $0xFFFFFFFF;
	p2 =	slt.u32 s8, $0xFFFFF086  }
0x1c: {  	p1 =	slt.u32 s9, $0xF7A;
	s5 =	simm.s32 @!p2 $0x0  }
0x1d: {  	s5 =	simm.s32 @p1 $0x1;
	p0 =	seq.s32 s7, s2  }
0x1e: {  	s7 =	smul.u32 @!p0 $0xF7A, s2;
	p2 =	seq.s32 @!p0 s5, $0x0  }
0x1f: {  	s9 =	smul.u32 $0xF7A, s1;
	s8 =	simm.s32 @!p0 $0x1BF5;
	p2 =	por !p2, p0  }
0x20: {  	[sflag:s8] =	ssyncset.s32 @!p0 $0xFFFFF086;
	s6 =	sadd.s32 @!p0 s3, s7;
	s7 =	simm.s32 @!p0 $0x108  }
0x21: {  	s3 =	sadd.s32 s3, s9;
	s6 =	sadd.s32 @!p0 $0x88, s6;
	s7 =	simm.s32 @p2 $0x1082  }
0x22: {  	[simem:s7], [sflag:s8] =	dma.local @!p0 [hbm:s6], $0xF7A  }
0x23: {  	s9 =	sor.u32 $0xD0000000, s2;
	s6 =	simm.s32 $0x108;
	_ =	swait.ge @!p0 [sflag:s8], $0x0  }
0x24: {  	s3 =	sadd.s32 $0x88, s3;
	s6 =	simm.s32 @!p1 $0x1082;
	[sflag:s4] =	ssyncset.s32 $0xFFFFF086  }
0x25: {  	[simem:s6], [sflag:s4] =	dma.local [hbm:s3], $0xF7A  }
0x26: {  	[smem:$0x3F9F] =	sst s1;
	(tag) =	ssettag s2;
	_ =	strace s9  }
0x27: {  	s1 =	sld [smem:$0x3FAF]  }
0x28: {  	s2 =	sld [smem:$0x3FB0]  }
0x29: {  	s4 =	sld [smem:$0x3FB2]  }
0x2a: {  	p0 =	seq.s32 s5, $0x0;
	s5 =	sld [smem:$0x3FB3]  }
0x2b: {  	s6 =	sld [smem:$0x3FB4]  }
0x2c: {  	s7 =	sld [smem:$0x3FB5]  }
0x2d: {  	s3 =	simm.s32 $0x108;
	s8 =	sld [smem:$0x3FB6]  }
0x2e: {  	s3 =	simm.s32 @!p0 $0x1082;
	s9 =	sld [smem:$0x3FB7]  }
0x2f: {  	lr =	sadd.s32 s0, s3;
	s0 =	sld [smem:$0x3FAE]  }
0x30: {  	s3 =	sld [smem:$0x3FB1]  }
0x31: {  	[smem:$0x3FBA] =	sst s10  }
0x32: {  	s10 =	sld [smem:$0x3FB8];
	_ =	sdelay $0x3  }
0x33: {  	p0 =	seq.s32 s10, $0x1;
	s10 =	sld [smem:$0x3FBA];
	_ =	sdelay $0x3  }
0x34: {  	[smem:$0x3FBA] =	sst s10  }
0x35: {  	s10 =	sld [smem:$0x3FB9];
	_ =	sdelay $0x3  }
0x36: {  	p1 =	seq.s32 s10, $0x1;
	s10 =	sld [smem:$0x3FBA];
	_ =	sdelay $0x3  }
0x37: {  	[smem:$0x3FBA] =	sst s10  }
0x38: {  	s10 =	sld [smem:$0x3FBB]  }
0x39: {  	_ = 	snop;
	(pc) =	sbr.ind lr, $3  }
0x3a: {  	_ = 	snop  }
0x3b: {  	_ = 	snop  }
0x3c: {  	p2 =	seq.s32 s10, $0x1;
	s10 =	sld [smem:$0x3FBA]  }
0x3d: {  	_ =	shalt  }
0x3e: {  	_ =	shalt  }
0x3f: {  	_ =	shalt  }
0x40: {  	_ =	shalt  }
0x41: {  	_ =	shalt  }
0x42: {  	_ =	shalt  }
0x43: {  	_ =	shalt  }
0x44: {  	_ =	shalt  }
0x45: {  	_ =	shalt  }
0x46: {  	_ =	shalt  }
0x47: {  	_ =	shalt  }
0x48: {  	_ =	shalt  }
0x49: {  	_ =	shalt  }
0x4a: {  	_ =	shalt  }
0x4b: {  	_ =	shalt  }
0x4c: {  	_ =	shalt  }
0x4d: {  	_ =	shalt  }
0x4e: {  	_ =	shalt  }
0x4f: {  	_ =	shalt  }
0x50: {  	_ =	shalt  }
0x51: {  	_ =	shalt  }
0x52: {  	_ =	shalt  }
0x53: {  	_ =	shalt  }
0x54: {  	_ =	shalt  }
0x55: {  	_ =	shalt  }
0x56: {  	_ =	shalt  }
0x57: {  	_ =	shalt  }
0x58: {  	_ =	shalt  }
0x59: {  	_ =	shalt  }
0x5a: {  	_ =	shalt  }
0x5b: {  	_ =	shalt  }
0x5c: {  	_ =	shalt  }
0x5d: {  	_ =	shalt  }
0x5e: {  	_ =	shalt  }
0x5f: {  	_ =	shalt  }
0x60: {  	_ =	shalt  }
0x61: {  	_ =	shalt  }
0x62: {  	_ =	shalt  }
0x63: {  	_ =	shalt  }
0x64: {  	_ =	shalt  }
0x65: {  	_ =	shalt  }
0x66: {  	_ =	shalt  }
0x67: {  	_ =	shalt  }
0x68: {  	_ =	shalt  }
0x69: {  	_ =	shalt  }
0x6a: {  	_ =	shalt  }
0x6b: {  	_ =	shalt  }
0x6c: {  	_ =	shalt  }
0x6d: {  	_ =	shalt  }
0x6e: {  	_ =	shalt  }
0x6f: {  	_ =	shalt  }
0x70: {  	_ =	shalt  }
0x71: {  	_ =	shalt  }
0x72: {  	_ =	shalt  }
0x73: {  	_ =	shalt  }
0x74: {  	_ =	shalt  }
0x75: {  	_ =	shalt  }
0x76: {  	_ =	shalt  }
0x77: {  	_ =	shalt  }
0x78: {  	_ =	shalt  }
0x79: {  	_ =	shalt  }
0x7a: {  	_ =	shalt  }
0x7b: {  	_ =	shalt  }
0x7c: {  	_ =	shalt  }
0x7d: {  	_ =	shalt  }
0x7e: {  	_ =	shalt  }
0x7f: {  	_ =	shalt  }
0x80: {  	_ =	shalt  }
0x81: {  	_ =	shalt  }
0x82: {  	_ =	shalt  }
0x83: {  	_ =	shalt  }
0x84: {  	_ =	shalt  }
0x85: {  	_ =	shalt  }
0x86: {  	_ =	shalt  }
0x87: {  	_ =	shalt  }
.Lfunc_end0:
.L_simem_size_0:
called_computation_lowered:
.L_overlay_start_0:
0x88: {  	s2 =	sld [smem:$0x3FD9]  }
0x89: {  	s3 =	sld [smem:$0x3FFE];
	_ =	sdelay $0x1  }
0x8a: {  	s1 =	srdreg.scid  }
0x8b: {  	s0 =	sand.u32 $0x1, s1  }
0x8c: {  	s18 =	sshll.u32 s0, $0xA;
	s2 =	sadd.s32 s3, s2  }
0x8d: {  	s2 =	sadd.s32 s2, s18  }
0x8e: {  	[smem:$0x3FC6] =	sst s2  }
0x8f: {  	_ = 	snop  }
0x90: {  	s2 =	sld [smem:$0x3FC9]  }
0x91: {  	s19 =	sld [smem:$0x3FC8]  }
0x92: {  	s4 =	sld [smem:$0x3FD0];
	(tm) =	ssettm $0x1  }
0x93: {  	s5 =	sld [smem:$0x3FFB];
	_ =	sdelay $0x3  }
0x94: {  	_ =	strace s5  }
0x95: {  	s5 =	sld [smem:$0x3FFC];
	_ =	sdelay $0x3  }
0x96: {  	_ =	strace s5  }
0x97: {  	s5 =	sld [smem:$0x3FFD];
	_ =	sdelay $0x3  }
0x98: {  	_ =	strace s5  }
0x99: {  	_ =	strace $0x8FFFFFFF  }
0x9a: {  	s20 =	sld [smem:$0x3FDB];
	_ =	sdelay $0x1  }
0x9b: {  	s6 =	simm.s32 $_scs_section_size  }
0x9c: {  	s7 =	simm.s32 $_size__tile_overlayer_lowered;
	s8 =	simm.s32 $_tile_overlayer_lowered  }
0x9d: {  	s23 =	simm.s32 $0x1BFF;
	s22 =	sshll.u32 s8, $0x1;
	s5 =	sadd.s32 s6, s20  }
0x9e: {  	s9 =	simm.s32 $0x0;
	s21 =	sshll.u32 s7, $0x1;
	s7 =	sadd.s32 s22, s5  }
0x9f: {  	[timem:s9], [sflag:s23] =	dma.local [hbm:s7], s21  }
0xa0: {  	_ =	swait.ge [sflag:s23], s21  }
0xa1: {  	s6 =	ssub.s32 $0x0, s21;
	[sflag:s23] =	ssyncset.done $0x0  }
0xa2: {  	[sflag:s23] =	ssyncadd.s32 s6;
	_ =	sdelay $0x1  }
0xa3: {  	s24 =	simm.s32 $0x1B8B  }
0xa4: {  	_ =	swait.ge [sflag:s24], $0x1  }
0xa5: {  	[sflag:s24] =	ssyncset.done $0x0  }
0xa6: {  	s25 =	simm.s32 $0x1B8E;
	[sflag:s24] =	ssyncadd.s32 $0xFFFFFFFF  }
0xa7: {  	s26 =	simm.s32 $execute0_lowered;
	[smem:$0x3FD2] =	sst s25  }
0xa8: {  	s6 =	sshll.u32 s26, $0x1;
	_ =	strace $0x80000046;
	[dreg:$0x1] =	wrdreg $0xFFFFFFFF  }
0xa9: {  	s28 =	simm.s32 $_size_execute0_lowered;
	s5 =	sadd.s32 s5, s6;
	[dreg:$0x0] =	wrdreg $0x0  }
0xaa: {  	s6 =	sshll.u32 s28, $0x1;
	[dreg:$0x2] =	wrdreg s5  }
0xab: {  	[dreg:$0x3] =	wrdreg s6  }
0xac: {  	[dreg:$0x4] =	wrdreg $0xC0  }
0xad: {  	_ =	task [dreg:s9], $0x5FFFF  }
0xae: {  	[dreg:$0x1] =	wrdreg $0xFFFFFFFF  }
0xaf: {  	[dreg:$0x0] =	wrdreg $0x60  }
0xb0: {  	[dreg:$0x2] =	wrdreg s2  }
0xb1: {  	[dreg:$0x3] =	wrdreg s19  }
0xb2: {  	[dreg:$0x4] =	wrdreg s4  }
0xb3: {  	[dreg:$0x5] =	wrdreg $0x9  }
0xb4: {  	_ =	task.clear_ibuf [dreg:s9], $0x6FFFF;
	_ =	strace $0x90000046  }
0xb5: {  	s29 =	simm.s32 $0x9;
	_ =	strace $0x80000048  }
0xb6: {  	_ =	swait.ge [sflag:s29], $0x1  }
0xb7: {  	[sflag:s29] =	ssyncadd.s32 $0xFFFFFFFF  }
0xb8: {  	_ =	strace $0x90000048  }
0xb9: {  	_ =	sfence  }
0xba: {  	s30 =	sld [smem:$0x0];
	_ =	sdelay $0x2  }
0xbb: {  	s31 =	sshll.u32 s1, $0xD;
	s1 =	sshrl.u32 s1, $0x2  }
0xbc: {  	s3 =	sand.u32 $0x4000, s31;
	s1 =	sadd.s32 s1, s30  }
0xbd: {  	s0 =	sor.u32 s3, s0;
	s1 =	sshll.u32 s1, $0x11  }
0xbe: {  	s0 =	sor.u32 s1, s0  }
0xbf: {  	s0 =	sadd.s32 $0x8F2B, s0  }
0xc0: {  	[sflag:s0] =	ssyncadd.remote.s32 $0x1  }
0xc1: {  	_ =	sfence.sel $0xFFFF  }
0xc2: {  	[dreg:$0x0] =	wrdreg $0xFFFFFFFF;
	(pc) =	sbr.abs _section_cstart, $3  }
0xc3: {  	[dreg:$0x1] =	wrdreg $0xFFFFFFFF  }
0xc4: {  	_ =	task.clear_ibuf [dreg:s9], $0x2FFFF;
	_ =	strace $0x9FFFFFFF  }
0xc5: {  	(tm) =	ssettm $0x7FFFFFFF  }
tec
execute0_lowered:
.L_overlay_start_1:
0x0: {  	(tag) =	ssettag $0x1  }
0x1: {  	s2 =	rddreg [dreg:$0x0]  }
0x2: {  	s6 =	rddreg [dreg:$0x1];
	s0 =	stileid.u32  }
0x3: {  	s3 =	rddreg [dreg:$0x2];
	s4 =	srdreg.scid;
	s13 =	simm.s32 $0x5  }
0x4: {  	s14 =	simm.s32 $0x4000;
	s15 =	simm.s32 $0x8000;
	s16 =	simm.s32 $0x1  }
0x5: {  	s17 =	simm.s32 $0xC000;
	s18 =	simm.s32 $0x2;
	s19 =	simm.s32 $0x4  }
0x6: {  	s20 =	simm.s32 $0x10000;
	s21 =	simm.s32 $0x3;
	s22 =	simm.s32 $0x0  }
0x7: {  	s5 =	sshll.u32 s0, $0x1;
	s7 =	sand.u32 $0x1, s4;
	s4 =	simm.s32 $0x0  }
0x8: {  	s30 =	sshll.u32 s0, $0xF;
	s5 =	sand.u32 $0x6, s5;
	[smem:$0x7FF] =	sst s4  }
0x9: {  	s8 =	sor.u32 s7, s5;
	s5 =	sand.u32 $0x60000, s30;
	_ =	strace $0x80000047  }
.Ltmp0:
0xa: {  	s7 =	ssub.s32 $0x2, s7;
	s9 =	sshll.u32 s8, $0xE;
	(pc) =	sbr.rel .LBB2_1-.Ltmp0, $4  }
0xb: {  	s31 =	sshrl.u32 s7, $0x1;
	s8 =	sshll.u32 s8, $0xB;
	s5 =	sor.u32 s5, s9  }
0xc: {  	s11 =	ssub.s32 s7, s31;
	s6 =	sadd.s32 s6, s8;
	s10 =	sshrl.u32 s5, $0x3  }
0xd: {  	s9 =	sor.u32 $0x100000, s5;
	s11 =	smax.u32 s11, $0x1;
	s7 =	sadd.s32 s2, s10  }
0xe: {  	s12 =	sor.u32 $0x80000, s5;
	s10 =	sor.u32 $0x180000, s5;
	s8 =	sadd.s32 $0x10000, s7  }
.LBB2_12:
0xf: {  	s22 =	sadd.s32 $0x1, s22  }
0x10: {  	_ =	swait.ge [sflag:s21], $0x4000;
	p0 =	sne.s32 s22, s11  }
.Ltmp1:
0x11: {  	[sflag:s21] =	ssyncset.done $0x0;
	(pc) =	sbr.rel @!p0 .LBB2_13-.Ltmp1, $4  }
0x12: {  	[sflag:s21] =	ssyncadd.s32 $0xFFFFC000  }
0x13: {  	_ =	swait.ge [sflag:s19], $0x4000  }
0x14: {  	[sflag:s19] =	ssyncset.done $0x0  }
0x15: {  	[sflag:s19] =	ssyncadd.s32 $0xFFFFC000  }
.LBB2_1:
0x16: {  	[tilespmem:s4], [sflag:$0x5] =	stream.linear.gather [hbm4b:s6+s4], $0x4000, $0x38;
	[tilespmem:$0x14000] =	vst v63  }
0x17: {  	_ =	swait.ge [sflag:s13], $0x4000  }
0x18: {  	[sflag:s13] =	ssyncset.done $0x0  }
0x19: {  	[sflag:s13] =	ssyncadd.s32 $0xFFFFC000  }
0x1a: {  	[tilespmem:s14], [sflag:$0x1] =	stream.linear.gather [hbm4b:s7+s4], $0x4000, $0x38;
	[tilespmem:$0x14000] =	vst v63  }
0x1b: {  	s23 =	simm.s32 $0x0  }
0x1c: {  	[tilespmem:s15], [sflag:$0x2] =	stream.linear.gather [hbm4b:s8+s4], $0x4000, $0x38;
	[tilespmem:$0x14000] =	vst v63  }
.LBB2_2:
0x1d: {  	_ =	swait.ge [sflag:s16], $0x4000  }
0x1e: {  	p0 =	seq.s32 s23, $0x0;
	[sflag:s16] =	ssyncset.done $0x0  }
0x1f: {  	s28 =	simm.s32 $0x0;
	s25 =	simm.s32 @!p0 $0x3;
	[sflag:s16] =	ssyncadd.s32 $0xFFFFC000  }
0x20: {  	s24 =	sshll.u32 s23, $0x14;
	s26 =	sand.u32 $0x7, s28;
	_ =	swait.ge @!p0 [sflag:s25], $0x4000  }
0x21: {  	s29 =	sand.u32 $0x70, s28;
	s30 =	sand.u32 $0x3C00, s28;
	[sflag:s25] =	ssyncset.done @!p0 $0x0  }
0x22: {  	s31 =	sshll.u32 s26, $0x4;
	s26 =	sor.u32 s29, s30;
	[sflag:s25] =	ssyncadd.s32 @!p0 $0xFFFFC000  }
0x23: {  	s29 =	simm.s32 $0x10;
	s30 =	simm.s32 $0x0;
	s25 =	sadd.s32 $0x0, s31;
	v0 =	vld [tilespmem:s26+$0x200]  }
.LBB2_3:
0x24: {  	p1 =	sne.s32 s29, $0x7F0;
	v1 =	vld [tilespmem:s26+$0x300];
	s28 =	sadd.s32 $0x80, s28;
	s30 =	sadd.s32 $0x1, s30  }
0x25: {  	s1 =	smov.u32 s29;
	s29 =	sadd.s32 $0x10, s29;
	s31 =	sand.u32 $0x7, s30;
	v2 =	vld [tilespmem:s26+$0x280]  }
0x26: {  	s31 =	sshll.u32 s31, $0x4;
	v3 =	vld [tilespmem:s26+$0x180]  }
0x27: {  	s31 =	sadd.s32 s31, s28;
	v4 =	vld [tilespmem:s26+$0x4180]  }
0x28: {  	v5 =	vld [tilespmem:s26+$0x4280]  }
0x29: {  	v6 =	vld [tilespmem:s26+$0x100]  }
0x2a: {  	v7 =	vld [tilespmem:s26+$0x4080]  }
0x2b: {  	v8 =	vld [tilespmem:s26+$0x4100]  }
0x2c: {  	v9 =	vld [tilespmem:s26+$0x80]  }
0x2d: {  	v3 =	vadd.f32 v3, v4;
	v10 =	vld [tilespmem:s26+$0x0];
	v2 =	vadd.f32 v2, v5  }
0x2e: {  	v4 =	vld [tilespmem:s26+$0x4300]  }
0x2f: {  	[tilespmem:s26+$0xC180] =	vst v3;
	v3 =	vld [tilespmem:s26+$0x4200]  }
0x30: {  	v5 =	vld [tilespmem:s26+$0x4000];
	v6 =	vadd.f32 v6, v8  }
0x31: {  	s1 =	sand.u32 $0x70, s1;
	s0 =	sand.u32 $0x3C00, s28;
	v7 =	vadd.f32 v9, v7  }
0x32: {  	s0 =	sor.u32 s1, s0;
	[tilespmem:s26+$0xC280] =	vst v2  }
0x33: {  	[tilespmem:s26+$0xC080] =	vst v7;
	v1 =	vadd.f32 v1, v4  }
0x34: {  	[tilespmem:s26+$0xC100] =	vst v6;
	v0 =	vadd.f32 v0, v3  }
0x35: {  	v2 =	vadd.f32 v10, v5;
	[tilespmem:s26+$0xC300] =	vst v1  }
0x36: {  	[tilespmem:s26+$0xC200] =	vst v0  }
0x37: {  	s1 =	sor.u32 $0x380, s25;
	s25 =	smov.u32 s31;
	[tilespmem:s26+$0xC000] =	vst v2;
	s26 =	smov.u32 s0  }
0x38: {  	v0 =	vld [tilespmem:s1+$0x4000]  }
0x39: {  	v1 =	vld [tilespmem:s1+$0x0];
	_ =	sdelay $0x3  }
.Ltmp2:
0x3a: {  	(pc) =	sbr.rel @p1 .LBB2_3-.Ltmp2, $3  }
0x3b: {  	v0 =	vadd.f32 v1, v0;
	_ =	sdelay $0x1  }
0x3c: {  	[tilespmem:s1+$0xC000] =	vst v0  }
0x3d: {  	v0 =	vld [tilespmem:s26+$0x200]  }
0x3e: {  	v1 =	vld [tilespmem:s26+$0x300]  }
0x3f: {  	v2 =	vld [tilespmem:s26+$0x280]  }
0x40: {  	v3 =	vld [tilespmem:s26+$0x180]  }
0x41: {  	v4 =	vld [tilespmem:s26+$0x4180]  }
0x42: {  	v5 =	vld [tilespmem:s26+$0x4280]  }
0x43: {  	v6 =	vld [tilespmem:s26+$0x100]  }
0x44: {  	v7 =	vld [tilespmem:s26+$0x4080]  }
0x45: {  	v8 =	vld [tilespmem:s26+$0x4100]  }
0x46: {  	v9 =	vld [tilespmem:s26+$0x80]  }
0x47: {  	v10 =	vld [tilespmem:s26+$0x0]  }
0x48: {  	v60 =	vld [tilespmem:s26+$0x4300]  }
0x49: {  	v61 =	vld [tilespmem:s26+$0x4200];
	v3 =	vadd.f32 v3, v4  }
0x4a: {  	v62 =	vld [tilespmem:s26+$0x4000];
	v2 =	vadd.f32 v2, v5  }
0x4b: {  	v7 =	vadd.f32 v9, v7;
	[tilespmem:s26+$0xC180] =	vst v3  }
0x4c: {  	v6 =	vadd.f32 v6, v8;
	[tilespmem:s26+$0xC280] =	vst v2  }
0x4d: {  	v1 =	vadd.f32 v1, v60;
	[tilespmem:s26+$0xC080] =	vst v7  }
0x4e: {  	v0 =	vadd.f32 v0, v61;
	[tilespmem:s26+$0xC100] =	vst v6  }
0x4f: {  	v63 =	vadd.f32 v10, v62;
	[tilespmem:s26+$0xC300] =	vst v1  }
0x50: {  	[tilespmem:s26+$0xC200] =	vst v0  }
0x51: {  	s0 =	sor.u32 $0x380, s25;
	[tilespmem:s26+$0xC000] =	vst v63  }
0x52: {  	v0 =	vld [tilespmem:s0+$0x4000]  }
0x53: {  	v1 =	vld [tilespmem:s0+$0x0];
	_ =	sdelay $0x2  }
0x54: {  	p1 =	sne.s32 s23, $0x17  }
.Ltmp3:
0x55: {  	_ = 	snop;
	(pc) =	sbr.rel @p1 .LBB2_6-.Ltmp3, $4  }
0x56: {  	s1 =	sor.u32 s24, s5;
	v0 =	vadd.f32 v1, v0  }
0x57: {  	s1 =	sshrl.u32 s1, $0x3  }
0x58: {  	s31 =	sadd.s32 s3, s1;
	[tilespmem:s0+$0xC000] =	vst v0  }
0x59: {  	[hbm4b:s31+s4] =	stream.linear.scatter [tilespmem:s17], [sflag:$0x3], $0x4000, $0x38;
	[tilespmem:$0x14000] =	vst v63  }
.Ltmp4:
0x5a: {  	(pc) =	sbr.rel .LBB2_7-.Ltmp4, $4  }
0x5b: {  	_ = 	snop  }
0x5c: {  	_ =	swait.ge [sflag:s18], $0x4000  }
0x5d: {  	[sflag:s18] =	ssyncset.done $0x0  }
0x5e: {  	[sflag:s18] =	ssyncadd.s32 $0xFFFFC000  }
.LBB2_6:
0x5f: {  	s0 =	sadd.s32 s9, s24  }
0x60: {  	s0 =	sshrl.u32 s0, $0x3  }
.Ltmp5:
0x61: {  	s0 =	sadd.s32 s2, s0;
	(pc) =	sbr.rel @p0 .LBB2_8-.Ltmp5, $4  }
0x62: {  	[tilespmem:s14], [sflag:$0x1] =	stream.linear.gather [hbm4b:s0+s4], $0x4000, $0x38;
	[tilespmem:$0x14000] =	vst v63  }
0x63: {  	_ =	swait.ge [sflag:s18], $0x4000  }
0x64: {  	[sflag:s18] =	ssyncset.done $0x0  }
0x65: {  	[sflag:s18] =	ssyncadd.s32 $0xFFFFC000  }
.LBB2_7:
0x66: {  	_ =	swait.ge [sflag:s19], $0x4000  }
0x67: {  	[sflag:s19] =	ssyncset.done $0x0  }
0x68: {  	[sflag:s19] =	ssyncadd.s32 $0xFFFFC000  }
.LBB2_8:
0x69: {  	s28 =	simm.s32 $0x0  }
0x6a: {  	s0 =	sand.u32 $0x70, s28;
	s1 =	sand.u32 $0x3C00, s28  }
0x6b: {  	s25 =	sor.u32 s0, s1  }
0x6c: {  	v2 =	vld [tilespmem:s25+$0x280]  }
0x6d: {  	s31 =	sand.u32 $0x7, s28;
	v3 =	vld [tilespmem:s25+$0x8280]  }
0x6e: {  	s0 =	sshll.u32 s31, $0x4;
	v0 =	vld [tilespmem:s25+$0x200]  }
0x6f: {  	s29 =	simm.s32 $0x10;
	s30 =	simm.s32 $0x0;
	s26 =	sadd.s32 $0x0, s0;
	v1 =	vld [tilespmem:s25+$0x300]  }
.LBB2_9:
0x70: {  	p0 =	sne.s32 s29, $0x7F0;
	v4 =	vld [tilespmem:s25+$0x180];
	s28 =	sadd.s32 $0x80, s28;
	s30 =	sadd.s32 $0x1, s30  }
0x71: {  	s1 =	smov.u32 s29;
	s29 =	sadd.s32 $0x10, s29;
	s0 =	sand.u32 $0x7, s30;
	v5 =	vld [tilespmem:s25+$0x8180]  }
0x72: {  	s0 =	sshll.u32 s0, $0x4;
	v6 =	vld [tilespmem:s25+$0x100]  }
0x73: {  	s0 =	sadd.s32 s0, s28;
	v7 =	vld [tilespmem:s25+$0x8080]  }
0x74: {  	v8 =	vld [tilespmem:s25+$0x8100]  }
0x75: {  	v9 =	vld [tilespmem:s25+$0x80]  }
0x76: {  	v10 =	vld [tilespmem:s25+$0x0]  }
0x77: {  	v11 =	vld [tilespmem:s25+$0x8000]  }
0x78: {  	v2 =	vadd.f32 v2, v3;
	v3 =	vld [tilespmem:s25+$0x8300]  }
0x79: {  	v4 =	vadd.f32 v4, v5;
	v6 =	vadd.f32 v6, v8;
	v5 =	vld [tilespmem:s25+$0x8200]  }
0x7a: {  	v7 =	vadd.f32 v9, v7;
	[tilespmem:s25+$0x10280] =	vst v2  }
0x7b: {  	[tilespmem:s25+$0x10100] =	vst v6  }
0x7c: {  	v2 =	vadd.f32 v10, v11;
	[tilespmem:s25+$0x10080] =	vst v7  }
0x7d: {  	s1 =	sand.u32 $0x70, s1;
	s31 =	sand.u32 $0x3C00, s28;
	[tilespmem:s25+$0x10180] =	vst v4;
	v1 =	vadd.f32 v1, v3  }
0x7e: {  	s1 =	sor.u32 s1, s31;
	[tilespmem:s25+$0x10000] =	vst v2;
	v0 =	vadd.f32 v0, v5  }
0x7f: {  	[tilespmem:s25+$0x10300] =	vst v1  }
0x80: {  	s31 =	sor.u32 $0x4380, s26;
	[tilespmem:s25+$0x10200] =	vst v0;
	s25 =	smov.u32 s1  }
0x81: {  	s1 =	sor.u32 $0x380, s26;
	s26 =	smov.u32 s0;
	v0 =	vld [tilespmem:s31+$0x4000]  }
0x82: {  	v1 =	vld [tilespmem:s1+$0x0];
	_ =	sdelay $0x4  }
0x83: {  	v0 =	vadd.f32 v1, v0;
	_ =	sdelay $0x1  }
.Ltmp6:
0x84: {  	[tilespmem:s31+$0xC000] =	vst v0;
	(pc) =	sbr.rel @p0 .LBB2_9-.Ltmp6, $4  }
0x85: {  	v2 =	vld [tilespmem:s25+$0x280]  }
0x86: {  	v3 =	vld [tilespmem:s25+$0x8280]  }
0x87: {  	v0 =	vld [tilespmem:s25+$0x200]  }
0x88: {  	v1 =	vld [tilespmem:s25+$0x300]  }
0x89: {  	v4 =	vld [tilespmem:s25+$0x180]  }
0x8a: {  	v5 =	vld [tilespmem:s25+$0x8180]  }
0x8b: {  	v6 =	vld [tilespmem:s25+$0x100]  }
0x8c: {  	v7 =	vld [tilespmem:s25+$0x8080]  }
0x8d: {  	v8 =	vld [tilespmem:s25+$0x8100]  }
0x8e: {  	v9 =	vld [tilespmem:s25+$0x80]  }
0x8f: {  	v10 =	vld [tilespmem:s25+$0x0]  }
0x90: {  	v11 =	vld [tilespmem:s25+$0x8000]  }
0x91: {  	v60 =	vld [tilespmem:s25+$0x8300];
	v2 =	vadd.f32 v2, v3  }
0x92: {  	v61 =	vld [tilespmem:s25+$0x8200];
	v6 =	vadd.f32 v6, v8  }
0x93: {  	[tilespmem:s25+$0x10280] =	vst v2;
	v7 =	vadd.f32 v9, v7  }
0x94: {  	v62 =	vadd.f32 v4, v5;
	[tilespmem:s25+$0x10100] =	vst v6  }
0x95: {  	v63 =	vadd.f32 v10, v11;
	[tilespmem:s25+$0x10080] =	vst v7  }
0x96: {  	v1 =	vadd.f32 v1, v60;
	[tilespmem:s25+$0x10180] =	vst v62  }
0x97: {  	v0 =	vadd.f32 v0, v61;
	[tilespmem:s25+$0x10000] =	vst v63  }
0x98: {  	[tilespmem:s25+$0x10300] =	vst v1  }
0x99: {  	s0 =	sor.u32 $0x4380, s26;
	[tilespmem:s25+$0x10200] =	vst v0  }
0x9a: {  	s1 =	sor.u32 $0x380, s26;
	v0 =	vld [tilespmem:s0+$0x4000]  }
0x9b: {  	v1 =	vld [tilespmem:s1+$0x0];
	_ =	sdelay $0x2  }
0x9c: {  	p0 =	seq.s32 s23, $0x17  }
.Ltmp7:
0x9d: {  	_ = 	snop;
	(pc) =	sbr.rel @p0 .LBB2_12-.Ltmp7, $4  }
0x9e: {  	s30 =	sor.u32 s12, s24;
	v0 =	vadd.f32 v1, v0  }
0x9f: {  	s1 =	sshrl.u32 s30, $0x3  }
0xa0: {  	s31 =	sadd.s32 s3, s1;
	[tilespmem:s0+$0xC000] =	vst v0  }
0xa1: {  	[hbm4b:s31+s4] =	stream.linear.scatter [tilespmem:s20], [sflag:$0x4], $0x4000, $0x38;
	[tilespmem:$0x14000] =	vst v63  }
.Ltmp8:
0xa2: {  	(pc) =	sbr.rel .LBB2_2-.Ltmp8, $4  }
0xa3: {  	s0 =	sadd.s32 s10, s24  }
0xa4: {  	s0 =	sshrl.u32 s0, $0x3  }
0xa5: {  	s23 =	sadd.s32 $0x1, s23;
	s0 =	sadd.s32 s2, s0  }
0xa6: {  	[tilespmem:s15], [sflag:$0x2] =	stream.linear.gather [hbm4b:s0+s4], $0x4000, $0x38;
	[tilespmem:$0x14000] =	vst v63  }
.LBB2_13:
0xa7: {  	_ =	sfence.sel $0x180000  }
0xa8: {  	[bflag:$0x0] =	sbarrier.arrive $0xFFFF  }
0xa9: {  	_ =	strace $0x90000047  }
0xaa: {  	s0 =	stileid.u32;
	[bflag:$0x2] =	sbarrier.arrive $0xFFFF  }
0xab: {  	p0 =	sne.s32 s0, $0x0;
	s0 =	rddreg [dreg:$0x3]  }
0xac: {  	s0 =	sadd.s32 @!p0 $0x100000, s0  }
0xad: {  	[sflag:s0] =	ssyncadd.tile.s32 @!p0 $0x1;
	_ =	shalt  }
.Lfunc_end2:
_tile_overlayer_lowered:
.L_overlay_start_2:
0xae: {  	(tag) =	ssettag $0x2  }
0xaf: {  	s0 =	rddreg [dreg:$0x0];
	s2 =	stileid.u32  }
0xb0: {  	s1 =	rddreg [dreg:$0x1];
	p0 =	sne.s32 s2, $0x0  }
0xb1: {  	s3 =	rddreg [dreg:$0x2];
	[bflag:$0x3] =	sbarrier.arrive $0xFFFF;
	s2 =	simm.s32 @!p0 $0x1C05  }
0xb2: {  	[timem:s3], [sflag:s2] =	dma.local @!p0 [hbm:s0], s1  }
0xb3: {  	s0 =	simm.s32 @!p0 $0x5  }
0xb4: {  	_ =	swait.ge @!p0 [sflag:s0], s1  }
0xb5: {  	s1 =	ssub.s32 @!p0 $0x0, s1;
	[sflag:s0] =	ssyncset.done @!p0 $0x0  }
0xb6: {  	[sflag:s0] =	ssyncadd.s32 @!p0 s1  }
0xb7: {  	[bflag:$0x3] =	sbarrier.arrive $0xFFFF  }
0xb8: {  	_ =	shalt  }

</sc_bundles>
